<compile_context>
chip_gen: v7x
topology: tpu7x:2x2x1
jax: 0.10.2.dev20260603
libtpu: 0.0.44.dev20260713+nightly
codegen_flags: <defaults>
</compile_context>

<pallas_src>
import functools

import jax
import jax.numpy as jnp
from jax import lax
from jax.experimental import pallas as pl
from jax.experimental.pallas import tpu as pltpu
from jax.experimental.pallas import tpu_sc as plsc

_NC = 2
_NS = 16
_W = _NC * _NS
_L = 16
_B = 128


def _rsqrt(s):
    bits = lax.bitcast_convert_type(s, jnp.int32)
    bits = jnp.int32(0x5F3759DF) - (bits >> 1)
    y = lax.bitcast_convert_type(bits, jnp.float32)
    for _ in range(2):
        y = y * (1.5 - 0.5 * s * y * y)
    return y


def _edge_body(E, C, eidx, px, py, pz, out,
               jv, iv, gx, ov, sx, sy, sz, sem_idx, sem_g, sem_out):
    n_chunks = E // C
    n_steps = (n_chunks + _W - 1) // _W
    wid = lax.axis_index("s") * _NC + lax.axis_index("c")
    lane = lax.iota(jnp.int32, _L)

    @pl.when(lax.axis_index("s") == 0)
    def _():
        pltpu.sync_copy(px, sx)
        pltpu.sync_copy(py, sy)
        pltpu.sync_copy(pz, sz)

    plsc.subcore_barrier()

    def gchunk(t):
        return wid + t * _W

    def valid(t):
        return gchunk(t) < n_chunks

    def idx_copy(t, b):
        base = gchunk(t) * C
        pltpu.async_copy(eidx.at[pl.ds(base, C)], jv[b], sem_idx[b])
        pltpu.async_copy(eidx.at[pl.ds(E + base, C)], iv[b], sem_idx[b])

    def idx_wait(b):
        pltpu.make_async_copy(eidx.at[pl.ds(0, C)], jv[b], sem_idx[b]).wait()
        pltpu.make_async_copy(eidx.at[pl.ds(0, C)], iv[b], sem_idx[b]).wait()

    def gather(b):
        pltpu.async_copy(sx.at[jv[b]], gx[b].at[0], sem_g[b])
        pltpu.async_copy(sy.at[jv[b]], gx[b].at[1], sem_g[b])
        pltpu.async_copy(sz.at[jv[b]], gx[b].at[2], sem_g[b])
        pltpu.async_copy(sx.at[iv[b]], gx[b].at[3], sem_g[b])
        pltpu.async_copy(sy.at[iv[b]], gx[b].at[4], sem_g[b])
        pltpu.async_copy(sz.at[iv[b]], gx[b].at[5], sem_g[b])

    def gather_wait(b):
        for p in range(6):
            pltpu.make_async_copy(sx.at[jv[b]], gx[b].at[p], sem_g[b]).wait()

    def out_copy(t, b):
        pltpu.async_copy(ov[b], out.at[pl.ds(4 * gchunk(t) * C, 4 * C)],
                         sem_out[b])

    def out_wait(b):
        pltpu.make_async_copy(ov[b], out.at[pl.ds(0, 4 * C)],
                              sem_out[b]).wait()

    def compute(b):
        def one(g):
            sl = pl.ds(g * _L, _L)
            dx = gx[b][0, sl] - gx[b][3, sl]
            dy = gx[b][1, sl] - gx[b][4, sl]
            dz = gx[b][2, sl] - gx[b][5, sl]
            s = dx * dx + dy * dy + dz * dz
            r = _rsqrt(s)
            offv = (g >> 3) * (4 * _B) + (g & 7) * _L + lane
            plsc.store_scatter(ov[b], [offv], s * r)
            plsc.store_scatter(ov[b], [offv + _B], dx * r)
            plsc.store_scatter(ov[b], [offv + 2 * _B], dy * r)
            plsc.store_scatter(ov[b], [offv + 3 * _B], dz * r)

        def grp(q, carry2):
            one(2 * q)
            one(2 * q + 1)
            return carry2

        lax.fori_loop(0, C // (2 * _L), grp, 0)

    def step(t, b):
        nb = 1 - b

        @pl.when(valid(t + 1))
        def _():
            idx_wait(nb)
            gather(nb)

        @pl.when(valid(t))
        def _():
            gather_wait(b)

            @pl.when(t >= 2)
            def _():
                out_wait(b)

            compute(b)
            out_copy(t, b)

        @pl.when(valid(t + 2))
        def _():
            idx_copy(t + 2, b)

    idx_copy(0, 0)
    idx_copy(1, 1)
    idx_wait(0)
    gather(0)

    def pair(p, carry):
        step(2 * p, 0)
        step(2 * p + 1, 1)
        return carry

    lax.fori_loop(0, n_steps // 2, pair, 0)
    if n_steps % 2:
        step(n_steps - 1, 0)
    out_wait(1 if n_steps % 2 else 0)
    out_wait(0 if n_steps % 2 else 1)


def kernel(pos, edge_index):
    N = pos.shape[0]
    E = edge_index.shape[1]
    C = 3200
    assert E % C == 0 and C % _B == 0 and C % _L == 0
    assert E // C >= 2 * _W
    post = pos.T

    mesh = plsc.VectorSubcoreMesh(core_axis_name="c", subcore_axis_name="s")
    k = pl.kernel(
        functools.partial(_edge_body, E, C),
        name="edge_props",
        out_type=jax.ShapeDtypeStruct((4 * E,), jnp.float32),
        mesh=mesh,
        compiler_params=pltpu.CompilerParams(
            needs_layout_passes=False, use_tc_tiling_on_sc=False),
        scratch_types=[
            [pltpu.VMEM((C,), jnp.int32)] * 2,
            [pltpu.VMEM((C,), jnp.int32)] * 2,
            [pltpu.VMEM((6, C), jnp.float32)] * 2,
            [pltpu.VMEM((4 * C,), jnp.float32)] * 2,
            pltpu.VMEM_SHARED((N,), jnp.float32),
            pltpu.VMEM_SHARED((N,), jnp.float32),
            pltpu.VMEM_SHARED((N,), jnp.float32),
            [pltpu.SemaphoreType.DMA] * 2,
            [pltpu.SemaphoreType.DMA] * 2,
            [pltpu.SemaphoreType.DMA] * 2,
        ],
    )
    out_flat = k(edge_index.reshape(2 * E), post[0], post[1], post[2])
    return out_flat.reshape(E // _B, 4, _B).swapaxes(1, 2).reshape(E, 4)

# --- scband reference (transcript-rebuilt; emitter-appended) ---
"""Pipeline reference for scband-base-model-84275848282217 (READ-ONLY COPY).

The authoritative reference and input builder live on the scoring server;
editing this copy changes nothing except your own understanding.
"""

import jax, jax.numpy as jnp
import numpy as np


def setup_inputs(seed: int = 0) -> dict:
    key = jax.random.key(seed)
    k1, k2 = jax.random.split(key)
    N = 100000
    E = 6400000
    pos = jax.random.normal(k1, (N, 3), dtype=jnp.float32) * 5.0
    edge_index = jax.random.randint(k2, (2, E), 0, N, dtype=jnp.int32)
    return {"pos": pos, "edge_index": edge_index}


def reference(pos, edge_index):
    # Non-PBC branch of BaseModel.get_graph_properties:
    #   j, i = edge_index
    #   distance_vec = pos[j] - pos[i]
    #   edge_dist = distance_vec.norm(dim=-1)
    #   distance_vec normalized by edge_dist (as done in the PBC branch / downstream usage)
    j = edge_index[0]
    i = edge_index[1]
    dvec = jnp.take(pos, j, axis=0) - jnp.take(pos, i, axis=0)  # gather: [E, 3]
    edge_dist = jnp.sqrt(jnp.sum(dvec * dvec, axis=-1))  # [E]
    unit_vec = dvec / edge_dist[:, None]  # [E, 3]
    # pack (edge_dist, distance_vec) into one array [E, 4] for a single output
    return jnp.concatenate([edge_dist[:, None], unit_vec], axis=1)

if __name__ == "__main__":
    import jax
    _d = setup_inputs()
    print(jax.jit(kernel)(*tuple(_d.values())))

</pallas_src>

<mosaic_0001>
#map = affine_map<(d0, d1) -> (0)>
module attributes {stable_mosaic.version = 14 : i64} {
  func.func @edge_props(%arg0: i32, %arg1: i32, %arg2: memref<12800000xi32, #tpu.memory_space<hbm>>, %arg3: memref<100000xf32, #tpu.memory_space<hbm>>, %arg4: memref<100000xf32, #tpu.memory_space<hbm>>, %arg5: memref<100000xf32, #tpu.memory_space<hbm>>, %arg6: memref<25600000xf32, #tpu.memory_space<hbm>>, %arg7: memref<3200xi32, #tpu.memory_space<vmem>>, %arg8: memref<3200xi32, #tpu.memory_space<vmem>>, %arg9: memref<3200xi32, #tpu.memory_space<vmem>>, %arg10: memref<3200xi32, #tpu.memory_space<vmem>>, %arg11: memref<6x3200xf32, #tpu.memory_space<vmem>>, %arg12: memref<6x3200xf32, #tpu.memory_space<vmem>>, %arg13: memref<12800xf32, #tpu.memory_space<vmem>>, %arg14: memref<12800xf32, #tpu.memory_space<vmem>>, %arg15: memref<100000xf32, #tpu.memory_space<vmem_shared>>, %arg16: memref<100000xf32, #tpu.memory_space<vmem_shared>>, %arg17: memref<100000xf32, #tpu.memory_space<vmem_shared>>, %arg18: memref<!tpu.dma_semaphore, #tpu.memory_space<semaphore_mem>>, %arg19: memref<!tpu.dma_semaphore, #tpu.memory_space<semaphore_mem>>, %arg20: memref<!tpu.dma_semaphore, #tpu.memory_space<semaphore_mem>>, %arg21: memref<!tpu.dma_semaphore, #tpu.memory_space<semaphore_mem>>, %arg22: memref<!tpu.dma_semaphore, #tpu.memory_space<semaphore_mem>>, %arg23: memref<!tpu.dma_semaphore, #tpu.memory_space<semaphore_mem>>) attributes {dimension_semantics = [#tpu.dimension_semantics<core_parallel>, #tpu.dimension_semantics<subcore_parallel>], iteration_bounds = array<i64: 2, 16>, scalar_prefetch = 0 : i64, scratch_operands = 17 : i64, tpu.core_type = #tpu.core_type<sc_vector_subcore>, window_params = [{transform_indices = #map}, {transform_indices = #map}, {transform_indices = #map}, {transform_indices = #map}, {transform_indices = #map}]} {
    %mul3A = arith.constant 2 : i32
    %mul3A_0 = arith.muli %arg1, %mul3A : i32
    %add3A = arith.addi %mul3A_0, %arg0 : i32
    %iota3A = tpu.iota {dimensions = array<i32: 0>} : vector<16xi32>
    %eq3A = arith.constant 0 : i32
    %eq3A_1 = arith.cmpi eq, %arg1, %eq3A : i32
    %convert_element_type3A = arith.extui %eq3A_1 : i1 to i32
    %cond3A = arith.constant 0 : i32
    %cond3A_2 = arith.cmpi ne, %convert_element_type3A, %cond3A : i32
    scf.if %cond3A_2 {
      "tpu.region"() ({
        %run_scoped3A = tpu.sem_alloc : memref<!tpu.dma_semaphore, #tpu.memory_space<semaphore_mem>>
        tpu.enqueue_dma source(%arg3 : memref<100000xf32, #tpu.memory_space<hbm>>) target(%arg15 : memref<100000xf32, #tpu.memory_space<vmem_shared>>) target_semaphore(%run_scoped3A : memref<!tpu.dma_semaphore, #tpu.memory_space<semaphore_mem>>)
        tpu.wait_dma2 semaphore(%run_scoped3A : memref<!tpu.dma_semaphore, #tpu.memory_space<semaphore_mem>>) src(%arg3 : memref<100000xf32, #tpu.memory_space<hbm>>) dst(%arg15 : memref<100000xf32, #tpu.memory_space<vmem_shared>>)
        tpu.yield
      }) : () -> ()
      "tpu.region"() ({
        %run_scoped3A = tpu.sem_alloc : memref<!tpu.dma_semaphore, #tpu.memory_space<semaphore_mem>>
        tpu.enqueue_dma source(%arg4 : memref<100000xf32, #tpu.memory_space<hbm>>) target(%arg16 : memref<100000xf32, #tpu.memory_space<vmem_shared>>) target_semaphore(%run_scoped3A : memref<!tpu.dma_semaphore, #tpu.memory_space<semaphore_mem>>)
        tpu.wait_dma2 semaphore(%run_scoped3A : memref<!tpu.dma_semaphore, #tpu.memory_space<semaphore_mem>>) src(%arg4 : memref<100000xf32, #tpu.memory_space<hbm>>) dst(%arg16 : memref<100000xf32, #tpu.memory_space<vmem_shared>>)
        tpu.yield
      }) : () -> ()
      "tpu.region"() ({
        %run_scoped3A = tpu.sem_alloc : memref<!tpu.dma_semaphore, #tpu.memory_space<semaphore_mem>>
        tpu.enqueue_dma source(%arg5 : memref<100000xf32, #tpu.memory_space<hbm>>) target(%arg17 : memref<100000xf32, #tpu.memory_space<vmem_shared>>) target_semaphore(%run_scoped3A : memref<!tpu.dma_semaphore, #tpu.memory_space<semaphore_mem>>)
        tpu.wait_dma2 semaphore(%run_scoped3A : memref<!tpu.dma_semaphore, #tpu.memory_space<semaphore_mem>>) src(%arg5 : memref<100000xf32, #tpu.memory_space<hbm>>) dst(%arg17 : memref<100000xf32, #tpu.memory_space<vmem_shared>>)
        tpu.yield
      }) : () -> ()
    } else {
    }
    %barrier3A = arith.constant 0 : index
    tpu.barrier barrier_id(%barrier3A)
    %add3A_3 = arith.constant 0 : i32
    %add3A_4 = arith.addi %add3A, %add3A_3 : i32
    %mul3A_5 = arith.constant 3200 : i32
    %mul3A_6 = arith.muli %add3A_4, %mul3A_5 : i32
    %dma_start3A = tpu.memref_slice %arg2[%mul3A_6] : memref<12800000xi32, #tpu.memory_space<hbm>> -> memref<3200xi32, #tpu.memory_space<hbm>>
    %dma_start3A_7 = tpu.memref_slice %arg2[%mul3A_6] : memref<12800000xi32, #tpu.memory_space<hbm>> -> memref<3200xi32, #tpu.memory_space<hbm>>
    tpu.enqueue_dma source(%dma_start3A_7 : memref<3200xi32, #tpu.memory_space<hbm>>) target(%arg7 : memref<3200xi32, #tpu.memory_space<vmem>>) target_semaphore(%arg18 : memref<!tpu.dma_semaphore, #tpu.memory_space<semaphore_mem>>)
    %add3A_8 = arith.constant 6400000 : i32
    %add3A_9 = arith.addi %add3A_8, %mul3A_6 : i32
    %dma_start3A_10 = tpu.memref_slice %arg2[%add3A_9] : memref<12800000xi32, #tpu.memory_space<hbm>> -> memref<3200xi32, #tpu.memory_space<hbm>>
    %dma_start3A_11 = tpu.memref_slice %arg2[%add3A_9] : memref<12800000xi32, #tpu.memory_space<hbm>> -> memref<3200xi32, #tpu.memory_space<hbm>>
    tpu.enqueue_dma source(%dma_start3A_11 : memref<3200xi32, #tpu.memory_space<hbm>>) target(%arg9 : memref<3200xi32, #tpu.memory_space<vmem>>) target_semaphore(%arg18 : memref<!tpu.dma_semaphore, #tpu.memory_space<semaphore_mem>>)
    %add3A_12 = arith.constant 32 : i32
    %add3A_13 = arith.addi %add3A, %add3A_12 : i32
    %mul3A_14 = arith.constant 3200 : i32
    %mul3A_15 = arith.muli %add3A_13, %mul3A_14 : i32
    %dma_start3A_16 = tpu.memref_slice %arg2[%mul3A_15] : memref<12800000xi32, #tpu.memory_space<hbm>> -> memref<3200xi32, #tpu.memory_space<hbm>>
    %dma_start3A_17 = tpu.memref_slice %arg2[%mul3A_15] : memref<12800000xi32, #tpu.memory_space<hbm>> -> memref<3200xi32, #tpu.memory_space<hbm>>
    tpu.enqueue_dma source(%dma_start3A_17 : memref<3200xi32, #tpu.memory_space<hbm>>) target(%arg8 : memref<3200xi32, #tpu.memory_space<vmem>>) target_semaphore(%arg19 : memref<!tpu.dma_semaphore, #tpu.memory_space<semaphore_mem>>)
    %add3A_18 = arith.constant 6400000 : i32
    %add3A_19 = arith.addi %add3A_18, %mul3A_15 : i32
    %dma_start3A_20 = tpu.memref_slice %arg2[%add3A_19] : memref<12800000xi32, #tpu.memory_space<hbm>> -> memref<3200xi32, #tpu.memory_space<hbm>>
    %dma_start3A_21 = tpu.memref_slice %arg2[%add3A_19] : memref<12800000xi32, #tpu.memory_space<hbm>> -> memref<3200xi32, #tpu.memory_space<hbm>>
    tpu.enqueue_dma source(%dma_start3A_21 : memref<3200xi32, #tpu.memory_space<hbm>>) target(%arg10 : memref<3200xi32, #tpu.memory_space<vmem>>) target_semaphore(%arg19 : memref<!tpu.dma_semaphore, #tpu.memory_space<semaphore_mem>>)
    %dma_wait3A = arith.constant 0 : i32
    %dma_wait3A_22 = tpu.memref_slice %arg2[%dma_wait3A] : memref<12800000xi32, #tpu.memory_space<hbm>> -> memref<3200xi32, #tpu.memory_space<hbm>>
    %dma_wait3A_23 = arith.constant 0 : i32
    %dma_wait3A_24 = tpu.memref_slice %arg2[%dma_wait3A_23] : memref<12800000xi32, #tpu.memory_space<hbm>> -> memref<3200xi32, #tpu.memory_space<hbm>>
    tpu.wait_dma2 semaphore(%arg18 : memref<!tpu.dma_semaphore, #tpu.memory_space<semaphore_mem>>) src(%dma_wait3A_24 : memref<3200xi32, #tpu.memory_space<hbm>>) dst(%arg7 : memref<3200xi32, #tpu.memory_space<vmem>>)
    %dma_wait3A_25 = arith.constant 0 : i32
    %dma_wait3A_26 = tpu.memref_slice %arg2[%dma_wait3A_25] : memref<12800000xi32, #tpu.memory_space<hbm>> -> memref<3200xi32, #tpu.memory_space<hbm>>
    %dma_wait3A_27 = arith.constant 0 : i32
    %dma_wait3A_28 = tpu.memref_slice %arg2[%dma_wait3A_27] : memref<12800000xi32, #tpu.memory_space<hbm>> -> memref<3200xi32, #tpu.memory_space<hbm>>
    tpu.wait_dma2 semaphore(%arg18 : memref<!tpu.dma_semaphore, #tpu.memory_space<semaphore_mem>>) src(%dma_wait3A_28 : memref<3200xi32, #tpu.memory_space<hbm>>) dst(%arg9 : memref<3200xi32, #tpu.memory_space<vmem>>)
    %dma_start3A_29 = arith.constant 0 : i32
    %dma_start3A_30 = arith.constant 0 : i32
    %dma_start3A_31 = tpu.memref_slice %arg11[%dma_start3A_29, %dma_start3A_30] : memref<6x3200xf32, #tpu.memory_space<vmem>> -> memref<1x3200xf32, #tpu.memory_space<vmem>>
    %dma_start3A_32 = tpu.memref_squeeze %dma_start3A_31 : memref<1x3200xf32, #tpu.memory_space<vmem>> -> memref<3200xf32, #tpu.memory_space<vmem>>
    %dma_start3A_33 = arith.constant 0 : i32
    %dma_start3A_34 = tpu.memref_slice %arg15[%dma_start3A_33] : memref<100000xf32, #tpu.memory_space<vmem_shared>> -> memref<100000xf32, #tpu.memory_space<vmem_shared>>
    tpu.enqueue_indirect_dma source(%dma_start3A_34 : memref<100000xf32, #tpu.memory_space<vmem_shared>>) target(%dma_start3A_32 : memref<3200xf32, #tpu.memory_space<vmem>>) offsets(%arg7 : memref<3200xi32, #tpu.memory_space<vmem>>) semaphore(%arg20 : memref<!tpu.dma_semaphore, #tpu.memory_space<semaphore_mem>>)
    %dma_start3A_35 = arith.constant 1 : i32
    %dma_start3A_36 = arith.constant 0 : i32
    %dma_start3A_37 = tpu.memref_slice %arg11[%dma_start3A_35, %dma_start3A_36] : memref<6x3200xf32, #tpu.memory_space<vmem>> -> memref<1x3200xf32, #tpu.memory_space<vmem>>
    %dma_start3A_38 = tpu.memref_squeeze %dma_start3A_37 : memref<1x3200xf32, #tpu.memory_space<vmem>> -> memref<3200xf32, #tpu.memory_space<vmem>>
    %dma_start3A_39 = arith.constant 0 : i32
    %dma_start3A_40 = tpu.memref_slice %arg16[%dma_start3A_39] : memref<100000xf32, #tpu.memory_space<vmem_shared>> -> memref<100000xf32, #tpu.memory_space<vmem_shared>>
    tpu.enqueue_indirect_dma source(%dma_start3A_40 : memref<100000xf32, #tpu.memory_space<vmem_shared>>) target(%dma_start3A_38 : memref<3200xf32, #tpu.memory_space<vmem>>) offsets(%arg7 : memref<3200xi32, #tpu.memory_space<vmem>>) semaphore(%arg20 : memref<!tpu.dma_semaphore, #tpu.memory_space<semaphore_mem>>)
    %dma_start3A_41 = arith.constant 2 : i32
    %dma_start3A_42 = arith.constant 0 : i32
    %dma_start3A_43 = tpu.memref_slice %arg11[%dma_start3A_41, %dma_start3A_42] : memref<6x3200xf32, #tpu.memory_space<vmem>> -> memref<1x3200xf32, #tpu.memory_space<vmem>>
    %dma_start3A_44 = tpu.memref_squeeze %dma_start3A_43 : memref<1x3200xf32, #tpu.memory_space<vmem>> -> memref<3200xf32, #tpu.memory_space<vmem>>
    %dma_start3A_45 = arith.constant 0 : i32
    %dma_start3A_46 = tpu.memref_slice %arg17[%dma_start3A_45] : memref<100000xf32, #tpu.memory_space<vmem_shared>> -> memref<100000xf32, #tpu.memory_space<vmem_shared>>
    tpu.enqueue_indirect_dma source(%dma_start3A_46 : memref<100000xf32, #tpu.memory_space<vmem_shared>>) target(%dma_start3A_44 : memref<3200xf32, #tpu.memory_space<vmem>>) offsets(%arg7 : memref<3200xi32, #tpu.memory_space<vmem>>) semaphore(%arg20 : memref<!tpu.dma_semaphore, #tpu.memory_space<semaphore_mem>>)
    %dma_start3A_47 = arith.constant 3 : i32
    %dma_start3A_48 = arith.constant 0 : i32
    %dma_start3A_49 = tpu.memref_slice %arg11[%dma_start3A_47, %dma_start3A_48] : memref<6x3200xf32, #tpu.memory_space<vmem>> -> memref<1x3200xf32, #tpu.memory_space<vmem>>
    %dma_start3A_50 = tpu.memref_squeeze %dma_start3A_49 : memref<1x3200xf32, #tpu.memory_space<vmem>> -> memref<3200xf32, #tpu.memory_space<vmem>>
    %dma_start3A_51 = arith.constant 0 : i32
    %dma_start3A_52 = tpu.memref_slice %arg15[%dma_start3A_51] : memref<100000xf32, #tpu.memory_space<vmem_shared>> -> memref<100000xf32, #tpu.memory_space<vmem_shared>>
    tpu.enqueue_indirect_dma source(%dma_start3A_52 : memref<100000xf32, #tpu.memory_space<vmem_shared>>) target(%dma_start3A_50 : memref<3200xf32, #tpu.memory_space<vmem>>) offsets(%arg9 : memref<3200xi32, #tpu.memory_space<vmem>>) semaphore(%arg20 : memref<!tpu.dma_semaphore, #tpu.memory_space<semaphore_mem>>)
    %dma_start3A_53 = arith.constant 4 : i32
    %dma_start3A_54 = arith.constant 0 : i32
    %dma_start3A_55 = tpu.memref_slice %arg11[%dma_start3A_53, %dma_start3A_54] : memref<6x3200xf32, #tpu.memory_space<vmem>> -> memref<1x3200xf32, #tpu.memory_space<vmem>>
    %dma_start3A_56 = tpu.memref_squeeze %dma_start3A_55 : memref<1x3200xf32, #tpu.memory_space<vmem>> -> memref<3200xf32, #tpu.memory_space<vmem>>
    %dma_start3A_57 = arith.constant 0 : i32
    %dma_start3A_58 = tpu.memref_slice %arg16[%dma_start3A_57] : memref<100000xf32, #tpu.memory_space<vmem_shared>> -> memref<100000xf32, #tpu.memory_space<vmem_shared>>
    tpu.enqueue_indirect_dma source(%dma_start3A_58 : memref<100000xf32, #tpu.memory_space<vmem_shared>>) target(%dma_start3A_56 : memref<3200xf32, #tpu.memory_space<vmem>>) offsets(%arg9 : memref<3200xi32, #tpu.memory_space<vmem>>) semaphore(%arg20 : memref<!tpu.dma_semaphore, #tpu.memory_space<semaphore_mem>>)
    %dma_start3A_59 = arith.constant 5 : i32
    %dma_start3A_60 = arith.constant 0 : i32
    %dma_start3A_61 = tpu.memref_slice %arg11[%dma_start3A_59, %dma_start3A_60] : memref<6x3200xf32, #tpu.memory_space<vmem>> -> memref<1x3200xf32, #tpu.memory_space<vmem>>
    %dma_start3A_62 = tpu.memref_squeeze %dma_start3A_61 : memref<1x3200xf32, #tpu.memory_space<vmem>> -> memref<3200xf32, #tpu.memory_space<vmem>>
    %dma_start3A_63 = arith.constant 0 : i32
    %dma_start3A_64 = tpu.memref_slice %arg17[%dma_start3A_63] : memref<100000xf32, #tpu.memory_space<vmem_shared>> -> memref<100000xf32, #tpu.memory_space<vmem_shared>>
    tpu.enqueue_indirect_dma source(%dma_start3A_64 : memref<100000xf32, #tpu.memory_space<vmem_shared>>) target(%dma_start3A_62 : memref<3200xf32, #tpu.memory_space<vmem>>) offsets(%arg9 : memref<3200xi32, #tpu.memory_space<vmem>>) semaphore(%arg20 : memref<!tpu.dma_semaphore, #tpu.memory_space<semaphore_mem>>)
    %scan3A = arith.constant 0 : i32
    %scan3A_65 = arith.constant 0 : i32
    %scan3A_66 = arith.constant 31 : i32
    %scan3A_67 = arith.addi %scan3A_65, %scan3A_66 : i32
    %scan3A_68 = arith.constant 1 : i32
    scf.for %scan3A_98 = %scan3A_65 to %scan3A_67 step %scan3A_68  : i32 {
      %mul3A_99 = arith.constant 2 : i32
      %mul3A_100 = arith.muli %mul3A_99, %scan3A_98 : i32
      %add3A_101 = arith.constant 1 : i32
      %add3A_102 = arith.addi %mul3A_100, %add3A_101 : i32
      %mul3A_103 = arith.constant 32 : i32
      %mul3A_104 = arith.muli %add3A_102, %mul3A_103 : i32
      %add3A_105 = arith.addi %add3A, %mul3A_104 : i32
      %lt3A_106 = arith.constant 2000 : i32
      %lt3A_107 = arith.cmpi slt, %add3A_105, %lt3A_106 : i32
      %convert_element_type3A_108 = arith.extui %lt3A_107 : i1 to i32
      %cond3A_109 = arith.constant 0 : i32
      %cond3A_110 = arith.cmpi ne, %convert_element_type3A_108, %cond3A_109 : i32
      scf.if %cond3A_110 {
        %dma_wait3A_161 = arith.constant 0 : i32
        %dma_wait3A_162 = tpu.memref_slice %arg2[%dma_wait3A_161] : memref<12800000xi32, #tpu.memory_space<hbm>> -> memref<3200xi32, #tpu.memory_space<hbm>>
        %dma_wait3A_163 = arith.constant 0 : i32
        %dma_wait3A_164 = tpu.memref_slice %arg2[%dma_wait3A_163] : memref<12800000xi32, #tpu.memory_space<hbm>> -> memref<3200xi32, #tpu.memory_space<hbm>>
        tpu.wait_dma2 semaphore(%arg19 : memref<!tpu.dma_semaphore, #tpu.memory_space<semaphore_mem>>) src(%dma_wait3A_164 : memref<3200xi32, #tpu.memory_space<hbm>>) dst(%arg8 : memref<3200xi32, #tpu.memory_space<vmem>>)
        %dma_wait3A_165 = arith.constant 0 : i32
        %dma_wait3A_166 = tpu.memref_slice %arg2[%dma_wait3A_165] : memref<12800000xi32, #tpu.memory_space<hbm>> -> memref<3200xi32, #tpu.memory_space<hbm>>
        %dma_wait3A_167 = arith.constant 0 : i32
        %dma_wait3A_168 = tpu.memref_slice %arg2[%dma_wait3A_167] : memref<12800000xi32, #tpu.memory_space<hbm>> -> memref<3200xi32, #tpu.memory_space<hbm>>
        tpu.wait_dma2 semaphore(%arg19 : memref<!tpu.dma_semaphore, #tpu.memory_space<semaphore_mem>>) src(%dma_wait3A_168 : memref<3200xi32, #tpu.memory_space<hbm>>) dst(%arg10 : memref<3200xi32, #tpu.memory_space<vmem>>)
        %dma_start3A_169 = arith.constant 0 : i32
        %dma_start3A_170 = arith.constant 0 : i32
        %dma_start3A_171 = tpu.memref_slice %arg12[%dma_start3A_169, %dma_start3A_170] : memref<6x3200xf32, #tpu.memory_space<vmem>> -> memref<1x3200xf32, #tpu.memory_space<vmem>>
        %dma_start3A_172 = tpu.memref_squeeze %dma_start3A_171 : memref<1x3200xf32, #tpu.memory_space<vmem>> -> memref<3200xf32, #tpu.memory_space<vmem>>
        %dma_start3A_173 = arith.constant 0 : i32
        %dma_start3A_174 = tpu.memref_slice %arg15[%dma_start3A_173] : memref<100000xf32, #tpu.memory_space<vmem_shared>> -> memref<100000xf32, #tpu.memory_space<vmem_shared>>
        tpu.enqueue_indirect_dma source(%dma_start3A_174 : memref<100000xf32, #tpu.memory_space<vmem_shared>>) target(%dma_start3A_172 : memref<3200xf32, #tpu.memory_space<vmem>>) offsets(%arg8 : memref<3200xi32, #tpu.memory_space<vmem>>) semaphore(%arg21 : memref<!tpu.dma_semaphore, #tpu.memory_space<semaphore_mem>>)
        %dma_start3A_175 = arith.constant 1 : i32
        %dma_start3A_176 = arith.constant 0 : i32
        %dma_start3A_177 = tpu.memref_slice %arg12[%dma_start3A_175, %dma_start3A_176] : memref<6x3200xf32, #tpu.memory_space<vmem>> -> memref<1x3200xf32, #tpu.memory_space<vmem>>
        %dma_start3A_178 = tpu.memref_squeeze %dma_start3A_177 : memref<1x3200xf32, #tpu.memory_space<vmem>> -> memref<3200xf32, #tpu.memory_space<vmem>>
        %dma_start3A_179 = arith.constant 0 : i32
        %dma_start3A_180 = tpu.memref_slice %arg16[%dma_start3A_179] : memref<100000xf32, #tpu.memory_space<vmem_shared>> -> memref<100000xf32, #tpu.memory_space<vmem_shared>>
        tpu.enqueue_indirect_dma source(%dma_start3A_180 : memref<100000xf32, #tpu.memory_space<vmem_shared>>) target(%dma_start3A_178 : memref<3200xf32, #tpu.memory_space<vmem>>) offsets(%arg8 : memref<3200xi32, #tpu.memory_space<vmem>>) semaphore(%arg21 : memref<!tpu.dma_semaphore, #tpu.memory_space<semaphore_mem>>)
        %dma_start3A_181 = arith.constant 2 : i32
        %dma_start3A_182 = arith.constant 0 : i32
        %dma_start3A_183 = tpu.memref_slice %arg12[%dma_start3A_181, %dma_start3A_182] : memref<6x3200xf32, #tpu.memory_space<vmem>> -> memref<1x3200xf32, #tpu.memory_space<vmem>>
        %dma_start3A_184 = tpu.memref_squeeze %dma_start3A_183 : memref<1x3200xf32, #tpu.memory_space<vmem>> -> memref<3200xf32, #tpu.memory_space<vmem>>
        %dma_start3A_185 = arith.constant 0 : i32
        %dma_start3A_186 = tpu.memref_slice %arg17[%dma_start3A_185] : memref<100000xf32, #tpu.memory_space<vmem_shared>> -> memref<100000xf32, #tpu.memory_space<vmem_shared>>
        tpu.enqueue_indirect_dma source(%dma_start3A_186 : memref<100000xf32, #tpu.memory_space<vmem_shared>>) target(%dma_start3A_184 : memref<3200xf32, #tpu.memory_space<vmem>>) offsets(%arg8 : memref<3200xi32, #tpu.memory_space<vmem>>) semaphore(%arg21 : memref<!tpu.dma_semaphore, #tpu.memory_space<semaphore_mem>>)
        %dma_start3A_187 = arith.constant 3 : i32
        %dma_start3A_188 = arith.constant 0 : i32
        %dma_start3A_189 = tpu.memref_slice %arg12[%dma_start3A_187, %dma_start3A_188] : memref<6x3200xf32, #tpu.memory_space<vmem>> -> memref<1x3200xf32, #tpu.memory_space<vmem>>
        %dma_start3A_190 = tpu.memref_squeeze %dma_start3A_189 : memref<1x3200xf32, #tpu.memory_space<vmem>> -> memref<3200xf32, #tpu.memory_space<vmem>>
        %dma_start3A_191 = arith.constant 0 : i32
        %dma_start3A_192 = tpu.memref_slice %arg15[%dma_start3A_191] : memref<100000xf32, #tpu.memory_space<vmem_shared>> -> memref<100000xf32, #tpu.memory_space<vmem_shared>>
        tpu.enqueue_indirect_dma source(%dma_start3A_192 : memref<100000xf32, #tpu.memory_space<vmem_shared>>) target(%dma_start3A_190 : memref<3200xf32, #tpu.memory_space<vmem>>) offsets(%arg10 : memref<3200xi32, #tpu.memory_space<vmem>>) semaphore(%arg21 : memref<!tpu.dma_semaphore, #tpu.memory_space<semaphore_mem>>)
        %dma_start3A_193 = arith.constant 4 : i32
        %dma_start3A_194 = arith.constant 0 : i32
        %dma_start3A_195 = tpu.memref_slice %arg12[%dma_start3A_193, %dma_start3A_194] : memref<6x3200xf32, #tpu.memory_space<vmem>> -> memref<1x3200xf32, #tpu.memory_space<vmem>>
        %dma_start3A_196 = tpu.memref_squeeze %dma_start3A_195 : memref<1x3200xf32, #tpu.memory_space<vmem>> -> memref<3200xf32, #tpu.memory_space<vmem>>
        %dma_start3A_197 = arith.constant 0 : i32
        %dma_start3A_198 = tpu.memref_slice %arg16[%dma_start3A_197] : memref<100000xf32, #tpu.memory_space<vmem_shared>> -> memref<100000xf32, #tpu.memory_space<vmem_shared>>
        tpu.enqueue_indirect_dma source(%dma_start3A_198 : memref<100000xf32, #tpu.memory_space<vmem_shared>>) target(%dma_start3A_196 : memref<3200xf32, #tpu.memory_space<vmem>>) offsets(%arg10 : memref<3200xi32, #tpu.memory_space<vmem>>) semaphore(%arg21 : memref<!tpu.dma_semaphore, #tpu.memory_space<semaphore_mem>>)
        %dma_start3A_199 = arith.constant 5 : i32
        %dma_start3A_200 = arith.constant 0 : i32
        %dma_start3A_201 = tpu.memref_slice %arg12[%dma_start3A_199, %dma_start3A_200] : memref<6x3200xf32, #tpu.memory_space<vmem>> -> memref<1x3200xf32, #tpu.memory_space<vmem>>
        %dma_start3A_202 = tpu.memref_squeeze %dma_start3A_201 : memref<1x3200xf32, #tpu.memory_space<vmem>> -> memref<3200xf32, #tpu.memory_space<vmem>>
        %dma_start3A_203 = arith.constant 0 : i32
        %dma_start3A_204 = tpu.memref_slice %arg17[%dma_start3A_203] : memref<100000xf32, #tpu.memory_space<vmem_shared>> -> memref<100000xf32, #tpu.memory_space<vmem_shared>>
        tpu.enqueue_indirect_dma source(%dma_start3A_204 : memref<100000xf32, #tpu.memory_space<vmem_shared>>) target(%dma_start3A_202 : memref<3200xf32, #tpu.memory_space<vmem>>) offsets(%arg10 : memref<3200xi32, #tpu.memory_space<vmem>>) semaphore(%arg21 : memref<!tpu.dma_semaphore, #tpu.memory_space<semaphore_mem>>)
      } else {
      }
      %mul3A_111 = arith.constant 32 : i32
      %mul3A_112 = arith.muli %mul3A_100, %mul3A_111 : i32
      %add3A_113 = arith.addi %add3A, %mul3A_112 : i32
      %lt3A_114 = arith.constant 2000 : i32
      %lt3A_115 = arith.cmpi slt, %add3A_113, %lt3A_114 : i32
      %convert_element_type3A_116 = arith.extui %lt3A_115 : i1 to i32
      %cond3A_117 = arith.constant 0 : i32
      %cond3A_118 = arith.cmpi ne, %convert_element_type3A_116, %cond3A_117 : i32
      scf.if %cond3A_118 {
        %dma_wait3A_161 = arith.constant 0 : i32
        %dma_wait3A_162 = arith.constant 0 : i32
        %dma_wait3A_163 = tpu.memref_slice %arg11[%dma_wait3A_161, %dma_wait3A_162] : memref<6x3200xf32, #tpu.memory_space<vmem>> -> memref<1x3200xf32, #tpu.memory_space<vmem>>
        %dma_wait3A_164 = tpu.memref_squeeze %dma_wait3A_163 : memref<1x3200xf32, #tpu.memory_space<vmem>> -> memref<3200xf32, #tpu.memory_space<vmem>>
        %dma_wait3A_165 = arith.constant 0 : i32
        %dma_wait3A_166 = tpu.memref_slice %arg15[%dma_wait3A_165] : memref<100000xf32, #tpu.memory_space<vmem_shared>> -> memref<100000xf32, #tpu.memory_space<vmem_shared>>
        tpu.wait_indirect_dma semaphore(%arg20 : memref<!tpu.dma_semaphore, #tpu.memory_space<semaphore_mem>>) src(%dma_wait3A_166 : memref<100000xf32, #tpu.memory_space<vmem_shared>>) dst(%dma_wait3A_164 : memref<3200xf32, #tpu.memory_space<vmem>>)
        %dma_wait3A_167 = arith.constant 1 : i32
        %dma_wait3A_168 = arith.constant 0 : i32
        %dma_wait3A_169 = tpu.memref_slice %arg11[%dma_wait3A_167, %dma_wait3A_168] : memref<6x3200xf32, #tpu.memory_space<vmem>> -> memref<1x3200xf32, #tpu.memory_space<vmem>>
        %dma_wait3A_170 = tpu.memref_squeeze %dma_wait3A_169 : memref<1x3200xf32, #tpu.memory_space<vmem>> -> memref<3200xf32, #tpu.memory_space<vmem>>
        %dma_wait3A_171 = arith.constant 0 : i32
        %dma_wait3A_172 = tpu.memref_slice %arg15[%dma_wait3A_171] : memref<100000xf32, #tpu.memory_space<vmem_shared>> -> memref<100000xf32, #tpu.memory_space<vmem_shared>>
        tpu.wait_indirect_dma semaphore(%arg20 : memref<!tpu.dma_semaphore, #tpu.memory_space<semaphore_mem>>) src(%dma_wait3A_172 : memref<100000xf32, #tpu.memory_space<vmem_shared>>) dst(%dma_wait3A_170 : memref<3200xf32, #tpu.memory_space<vmem>>)
        %dma_wait3A_173 = arith.constant 2 : i32
        %dma_wait3A_174 = arith.constant 0 : i32
        %dma_wait3A_175 = tpu.memref_slice %arg11[%dma_wait3A_173, %dma_wait3A_174] : memref<6x3200xf32, #tpu.memory_space<vmem>> -> memref<1x3200xf32, #tpu.memory_space<vmem>>
        %dma_wait3A_176 = tpu.memref_squeeze %dma_wait3A_175 : memref<1x3200xf32, #tpu.memory_space<vmem>> -> memref<3200xf32, #tpu.memory_space<vmem>>
        %dma_wait3A_177 = arith.constant 0 : i32
        %dma_wait3A_178 = tpu.memref_slice %arg15[%dma_wait3A_177] : memref<100000xf32, #tpu.memory_space<vmem_shared>> -> memref<100000xf32, #tpu.memory_space<vmem_shared>>
        tpu.wait_indirect_dma semaphore(%arg20 : memref<!tpu.dma_semaphore, #tpu.memory_space<semaphore_mem>>) src(%dma_wait3A_178 : memref<100000xf32, #tpu.memory_space<vmem_shared>>) dst(%dma_wait3A_176 : memref<3200xf32, #tpu.memory_space<vmem>>)
        %dma_wait3A_179 = arith.constant 3 : i32
        %dma_wait3A_180 = arith.constant 0 : i32
        %dma_wait3A_181 = tpu.memref_slice %arg11[%dma_wait3A_179, %dma_wait3A_180] : memref<6x3200xf32, #tpu.memory_space<vmem>> -> memref<1x3200xf32, #tpu.memory_space<vmem>>
        %dma_wait3A_182 = tpu.memref_squeeze %dma_wait3A_181 : memref<1x3200xf32, #tpu.memory_space<vmem>> -> memref<3200xf32, #tpu.memory_space<vmem>>
        %dma_wait3A_183 = arith.constant 0 : i32
        %dma_wait3A_184 = tpu.memref_slice %arg15[%dma_wait3A_183] : memref<100000xf32, #tpu.memory_space<vmem_shared>> -> memref<100000xf32, #tpu.memory_space<vmem_shared>>
        tpu.wait_indirect_dma semaphore(%arg20 : memref<!tpu.dma_semaphore, #tpu.memory_space<semaphore_mem>>) src(%dma_wait3A_184 : memref<100000xf32, #tpu.memory_space<vmem_shared>>) dst(%dma_wait3A_182 : memref<3200xf32, #tpu.memory_space<vmem>>)
        %dma_wait3A_185 = arith.constant 4 : i32
        %dma_wait3A_186 = arith.constant 0 : i32
        %dma_wait3A_187 = tpu.memref_slice %arg11[%dma_wait3A_185, %dma_wait3A_186] : memref<6x3200xf32, #tpu.memory_space<vmem>> -> memref<1x3200xf32, #tpu.memory_space<vmem>>
        %dma_wait3A_188 = tpu.memref_squeeze %dma_wait3A_187 : memref<1x3200xf32, #tpu.memory_space<vmem>> -> memref<3200xf32, #tpu.memory_space<vmem>>
        %dma_wait3A_189 = arith.constant 0 : i32
        %dma_wait3A_190 = tpu.memref_slice %arg15[%dma_wait3A_189] : memref<100000xf32, #tpu.memory_space<vmem_shared>> -> memref<100000xf32, #tpu.memory_space<vmem_shared>>
        tpu.wait_indirect_dma semaphore(%arg20 : memref<!tpu.dma_semaphore, #tpu.memory_space<semaphore_mem>>) src(%dma_wait3A_190 : memref<100000xf32, #tpu.memory_space<vmem_shared>>) dst(%dma_wait3A_188 : memref<3200xf32, #tpu.memory_space<vmem>>)
        %dma_wait3A_191 = arith.constant 5 : i32
        %dma_wait3A_192 = arith.constant 0 : i32
        %dma_wait3A_193 = tpu.memref_slice %arg11[%dma_wait3A_191, %dma_wait3A_192] : memref<6x3200xf32, #tpu.memory_space<vmem>> -> memref<1x3200xf32, #tpu.memory_space<vmem>>
        %dma_wait3A_194 = tpu.memref_squeeze %dma_wait3A_193 : memref<1x3200xf32, #tpu.memory_space<vmem>> -> memref<3200xf32, #tpu.memory_space<vmem>>
        %dma_wait3A_195 = arith.constant 0 : i32
        %dma_wait3A_196 = tpu.memref_slice %arg15[%dma_wait3A_195] : memref<100000xf32, #tpu.memory_space<vmem_shared>> -> memref<100000xf32, #tpu.memory_space<vmem_shared>>
        tpu.wait_indirect_dma semaphore(%arg20 : memref<!tpu.dma_semaphore, #tpu.memory_space<semaphore_mem>>) src(%dma_wait3A_196 : memref<100000xf32, #tpu.memory_space<vmem_shared>>) dst(%dma_wait3A_194 : memref<3200xf32, #tpu.memory_space<vmem>>)
        %ge3A = arith.constant 2 : i32
        %ge3A_197 = arith.cmpi sge, %mul3A_100, %ge3A : i32
        %convert_element_type3A_198 = arith.extui %ge3A_197 : i1 to i32
        %cond3A_199 = arith.constant 0 : i32
        %cond3A_200 = arith.cmpi ne, %convert_element_type3A_198, %cond3A_199 : i32
        scf.if %cond3A_200 {
          %dma_wait3A_216 = arith.constant 0 : i32
          %dma_wait3A_217 = tpu.memref_slice %arg6[%dma_wait3A_216] : memref<25600000xf32, #tpu.memory_space<hbm>> -> memref<12800xf32, #tpu.memory_space<hbm>>
          %dma_wait3A_218 = arith.constant 0 : i32
          %dma_wait3A_219 = tpu.memref_slice %arg6[%dma_wait3A_218] : memref<25600000xf32, #tpu.memory_space<hbm>> -> memref<12800xf32, #tpu.memory_space<hbm>>
          tpu.wait_dma2 semaphore(%arg22 : memref<!tpu.dma_semaphore, #tpu.memory_space<semaphore_mem>>) src(%arg13 : memref<12800xf32, #tpu.memory_space<vmem>>) dst(%dma_wait3A_219 : memref<12800xf32, #tpu.memory_space<hbm>>)
        } else {
        }
        %scan3A_201 = arith.constant 0 : i32
        %scan3A_202 = arith.constant 0 : i32
        %scan3A_203 = arith.constant 100 : i32
        %scan3A_204 = arith.addi %scan3A_202, %scan3A_203 : i32
        %scan3A_205 = arith.constant 1 : i32
        scf.for %scan3A_216 = %scan3A_202 to %scan3A_204 step %scan3A_205  : i32 {
          %mul3A_217 = arith.constant 2 : i32
          %mul3A_218 = arith.muli %mul3A_217, %scan3A_216 : i32
          %mul3A_219 = arith.constant 16 : i32
          %mul3A_220 = arith.muli %mul3A_218, %mul3A_219 : i32
          %get3A = arith.constant 0 : i32
          %get3A_221 = arith.index_cast %get3A : i32 to index
          %get3A_222 = arith.index_cast %mul3A_220 : i32 to index
          %get3A_223 = tpu.vector_load %arg11[%get3A_221, %get3A_222] {strides = array<i32>} : memref<6x3200xf32, #tpu.memory_space<vmem>>, vector<16xf32>,
          %get3A_224 = arith.constant 3 : i32
          %get3A_225 = arith.index_cast %get3A_224 : i32 to index
          %get3A_226 = arith.index_cast %mul3A_220 : i32 to index
          %get3A_227 = tpu.vector_load %arg11[%get3A_225, %get3A_226] {strides = array<i32>} : memref<6x3200xf32, #tpu.memory_space<vmem>>, vector<16xf32>,
          %sub3A = arith.subf %get3A_223, %get3A_227 : vector<16xf32>
          %get3A_228 = arith.constant 1 : i32
          %get3A_229 = arith.index_cast %get3A_228 : i32 to index
          %get3A_230 = arith.index_cast %mul3A_220 : i32 to index
          %get3A_231 = tpu.vector_load %arg11[%get3A_229, %get3A_230] {strides = array<i32>} : memref<6x3200xf32, #tpu.memory_space<vmem>>, vector<16xf32>,
          %get3A_232 = arith.constant 4 : i32
          %get3A_233 = arith.index_cast %get3A_232 : i32 to index
          %get3A_234 = arith.index_cast %mul3A_220 : i32 to index
          %get3A_235 = tpu.vector_load %arg11[%get3A_233, %get3A_234] {strides = array<i32>} : memref<6x3200xf32, #tpu.memory_space<vmem>>, vector<16xf32>,
          %sub3A_236 = arith.subf %get3A_231, %get3A_235 : vector<16xf32>
          %get3A_237 = arith.constant 2 : i32
          %get3A_238 = arith.index_cast %get3A_237 : i32 to index
          %get3A_239 = arith.index_cast %mul3A_220 : i32 to index
          %get3A_240 = tpu.vector_load %arg11[%get3A_238, %get3A_239] {strides = array<i32>} : memref<6x3200xf32, #tpu.memory_space<vmem>>, vector<16xf32>,
          %get3A_241 = arith.constant 5 : i32
          %get3A_242 = arith.index_cast %get3A_241 : i32 to index
          %get3A_243 = arith.index_cast %mul3A_220 : i32 to index
          %get3A_244 = tpu.vector_load %arg11[%get3A_242, %get3A_243] {strides = array<i32>} : memref<6x3200xf32, #tpu.memory_space<vmem>>, vector<16xf32>,
          %sub3A_245 = arith.subf %get3A_240, %get3A_244 : vector<16xf32>
          %mul3A_246 = arith.mulf %sub3A, %sub3A : vector<16xf32>
          %mul3A_247 = arith.mulf %sub3A_236, %sub3A_236 : vector<16xf32>
          %add3A_248 = arith.addf %mul3A_246, %mul3A_247 : vector<16xf32>
          %mul3A_249 = arith.mulf %sub3A_245, %sub3A_245 : vector<16xf32>
          %add3A_250 = arith.addf %add3A_248, %mul3A_249 : vector<16xf32>
          %bitcast_convert_type3A = tpu.bitcast %add3A_250 : vector<16xf32> -> vector<16xi32>
          %shift_right_arithmetic3A = arith.constant 1 : i32
          %shift_right_arithmetic3A_251 = vector.broadcast %shift_right_arithmetic3A : i32 to vector<16xi32>
          %shift_right_arithmetic3A_252 = arith.shrsi %bitcast_convert_type3A, %shift_right_arithmetic3A_251 : vector<16xi32>
          %sub3A_253 = arith.constant 1597463007 : i32
          %sub3A_254 = vector.broadcast %sub3A_253 : i32 to vector<16xi32>
          %sub3A_255 = arith.subi %sub3A_254, %shift_right_arithmetic3A_252 : vector<16xi32>
          %bitcast_convert_type3A_256 = tpu.bitcast %sub3A_255 : vector<16xi32> -> vector<16xf32>
          %mul3A_257 = arith.constant 5.000000e-01 : f32
          %mul3A_258 = vector.broadcast %mul3A_257 : f32 to vector<16xf32>
          %mul3A_259 = arith.mulf %mul3A_258, %add3A_250 : vector<16xf32>
          %mul3A_260 = arith.mulf %mul3A_259, %bitcast_convert_type3A_256 : vector<16xf32>
          %mul3A_261 = arith.mulf %mul3A_260, %bitcast_convert_type3A_256 : vector<16xf32>
          %sub3A_262 = arith.constant 1.500000e+00 : f32
          %sub3A_263 = vector.broadcast %sub3A_262 : f32 to vector<16xf32>
          %sub3A_264 = arith.subf %sub3A_263, %mul3A_261 : vector<16xf32>
          %mul3A_265 = arith.mulf %bitcast_convert_type3A_256, %sub3A_264 : vector<16xf32>
          %mul3A_266 = arith.constant 5.000000e-01 : f32
          %mul3A_267 = vector.broadcast %mul3A_266 : f32 to vector<16xf32>
          %mul3A_268 = arith.mulf %mul3A_267, %add3A_250 : vector<16xf32>
          %mul3A_269 = arith.mulf %mul3A_268, %mul3A_265 : vector<16xf32>
          %mul3A_270 = arith.mulf %mul3A_269, %mul3A_265 : vector<16xf32>
          %sub3A_271 = arith.constant 1.500000e+00 : f32
          %sub3A_272 = vector.broadcast %sub3A_271 : f32 to vector<16xf32>
          %sub3A_273 = arith.subf %sub3A_272, %mul3A_270 : vector<16xf32>
          %mul3A_274 = arith.mulf %mul3A_265, %sub3A_273 : vector<16xf32>
          %shift_right_arithmetic3A_275 = arith.constant 3 : i32
          %shift_right_arithmetic3A_276 = arith.shrsi %mul3A_218, %shift_right_arithmetic3A_275 : i32
          %mul3A_277 = arith.constant 512 : i32
          %mul3A_278 = arith.muli %shift_right_arithmetic3A_276, %mul3A_277 : i32
          %and3A = arith.constant 7 : i32
          %and3A_279 = arith.andi %mul3A_218, %and3A : i32
          %mul3A_280 = arith.constant 16 : i32
          %mul3A_281 = arith.muli %and3A_279, %mul3A_280 : i32
          %add3A_282 = arith.addi %mul3A_278, %mul3A_281 : i32
          %add3A_283 = vector.broadcast %add3A_282 : i32 to vector<16xi32>
          %add3A_284 = arith.addi %add3A_283, %iota3A : vector<16xi32>
          %mul3A_285 = arith.mulf %add3A_250, %mul3A_274 : vector<16xf32>
          tpu.vector_store_idx %arg13[%add3A_284], %mul3A_285 : memref<12800xf32, #tpu.memory_space<vmem>>[vector<16xi32>], vector<16xf32>,
          %add3A_286 = arith.constant 128 : i32
          %add3A_287 = vector.broadcast %add3A_286 : i32 to vector<16xi32>
          %add3A_288 = arith.addi %add3A_284, %add3A_287 : vector<16xi32>
          %mul3A_289 = arith.mulf %sub3A, %mul3A_274 : vector<16xf32>
          tpu.vector_store_idx %arg13[%add3A_288], %mul3A_289 : memref<12800xf32, #tpu.memory_space<vmem>>[vector<16xi32>], vector<16xf32>,
          %add3A_290 = arith.constant 256 : i32
          %add3A_291 = vector.broadcast %add3A_290 : i32 to vector<16xi32>
          %add3A_292 = arith.addi %add3A_284, %add3A_291 : vector<16xi32>
          %mul3A_293 = arith.mulf %sub3A_236, %mul3A_274 : vector<16xf32>
          tpu.vector_store_idx %arg13[%add3A_292], %mul3A_293 : memref<12800xf32, #tpu.memory_space<vmem>>[vector<16xi32>], vector<16xf32>,
          %add3A_294 = arith.constant 384 : i32
          %add3A_295 = vector.broadcast %add3A_294 : i32 to vector<16xi32>
          %add3A_296 = arith.addi %add3A_284, %add3A_295 : vector<16xi32>
          %mul3A_297 = arith.mulf %sub3A_245, %mul3A_274 : vector<16xf32>
          tpu.vector_store_idx %arg13[%add3A_296], %mul3A_297 : memref<12800xf32, #tpu.memory_space<vmem>>[vector<16xi32>], vector<16xf32>,
          %mul3A_298 = arith.constant 2 : i32
          %mul3A_299 = arith.muli %mul3A_298, %scan3A_216 : i32
          %add3A_300 = arith.constant 1 : i32
          %add3A_301 = arith.addi %mul3A_299, %add3A_300 : i32
          %mul3A_302 = arith.constant 16 : i32
          %mul3A_303 = arith.muli %add3A_301, %mul3A_302 : i32
          %get3A_304 = arith.constant 0 : i32
          %get3A_305 = arith.index_cast %get3A_304 : i32 to index
          %get3A_306 = arith.index_cast %mul3A_303 : i32 to index
          %get3A_307 = tpu.vector_load %arg11[%get3A_305, %get3A_306] {strides = array<i32>} : memref<6x3200xf32, #tpu.memory_space<vmem>>, vector<16xf32>,
          %get3A_308 = arith.constant 3 : i32
          %get3A_309 = arith.index_cast %get3A_308 : i32 to index
          %get3A_310 = arith.index_cast %mul3A_303 : i32 to index
          %get3A_311 = tpu.vector_load %arg11[%get3A_309, %get3A_310] {strides = array<i32>} : memref<6x3200xf32, #tpu.memory_space<vmem>>, vector<16xf32>,
          %sub3A_312 = arith.subf %get3A_307, %get3A_311 : vector<16xf32>
          %get3A_313 = arith.constant 1 : i32
          %get3A_314 = arith.index_cast %get3A_313 : i32 to index
          %get3A_315 = arith.index_cast %mul3A_303 : i32 to index
          %get3A_316 = tpu.vector_load %arg11[%get3A_314, %get3A_315] {strides = array<i32>} : memref<6x3200xf32, #tpu.memory_space<vmem>>, vector<16xf32>,
          %get3A_317 = arith.constant 4 : i32
          %get3A_318 = arith.index_cast %get3A_317 : i32 to index
          %get3A_319 = arith.index_cast %mul3A_303 : i32 to index
          %get3A_320 = tpu.vector_load %arg11[%get3A_318, %get3A_319] {strides = array<i32>} : memref<6x3200xf32, #tpu.memory_space<vmem>>, vector<16xf32>,
          %sub3A_321 = arith.subf %get3A_316, %get3A_320 : vector<16xf32>
          %get3A_322 = arith.constant 2 : i32
          %get3A_323 = arith.index_cast %get3A_322 : i32 to index
          %get3A_324 = arith.index_cast %mul3A_303 : i32 to index
          %get3A_325 = tpu.vector_load %arg11[%get3A_323, %get3A_324] {strides = array<i32>} : memref<6x3200xf32, #tpu.memory_space<vmem>>, vector<16xf32>,
          %get3A_326 = arith.constant 5 : i32
          %get3A_327 = arith.index_cast %get3A_326 : i32 to index
          %get3A_328 = arith.index_cast %mul3A_303 : i32 to index
          %get3A_329 = tpu.vector_load %arg11[%get3A_327, %get3A_328] {strides = array<i32>} : memref<6x3200xf32, #tpu.memory_space<vmem>>, vector<16xf32>,
          %sub3A_330 = arith.subf %get3A_325, %get3A_329 : vector<16xf32>
          %mul3A_331 = arith.mulf %sub3A_312, %sub3A_312 : vector<16xf32>
          %mul3A_332 = arith.mulf %sub3A_321, %sub3A_321 : vector<16xf32>
          %add3A_333 = arith.addf %mul3A_331, %mul3A_332 : vector<16xf32>
          %mul3A_334 = arith.mulf %sub3A_330, %sub3A_330 : vector<16xf32>
          %add3A_335 = arith.addf %add3A_333, %mul3A_334 : vector<16xf32>
          %bitcast_convert_type3A_336 = tpu.bitcast %add3A_335 : vector<16xf32> -> vector<16xi32>
          %shift_right_arithmetic3A_337 = arith.constant 1 : i32
          %shift_right_arithmetic3A_338 = vector.broadcast %shift_right_arithmetic3A_337 : i32 to vector<16xi32>
          %shift_right_arithmetic3A_339 = arith.shrsi %bitcast_convert_type3A_336, %shift_right_arithmetic3A_338 : vector<16xi32>
          %sub3A_340 = arith.constant 1597463007 : i32
          %sub3A_341 = vector.broadcast %sub3A_340 : i32 to vector<16xi32>
          %sub3A_342 = arith.subi %sub3A_341, %shift_right_arithmetic3A_339 : vector<16xi32>
          %bitcast_convert_type3A_343 = tpu.bitcast %sub3A_342 : vector<16xi32> -> vector<16xf32>
          %mul3A_344 = arith.constant 5.000000e-01 : f32
          %mul3A_345 = vector.broadcast %mul3A_344 : f32 to vector<16xf32>
          %mul3A_346 = arith.mulf %mul3A_345, %add3A_335 : vector<16xf32>
          %mul3A_347 = arith.mulf %mul3A_346, %bitcast_convert_type3A_343 : vector<16xf32>
          %mul3A_348 = arith.mulf %mul3A_347, %bitcast_convert_type3A_343 : vector<16xf32>
          %sub3A_349 = arith.constant 1.500000e+00 : f32
          %sub3A_350 = vector.broadcast %sub3A_349 : f32 to vector<16xf32>
          %sub3A_351 = arith.subf %sub3A_350, %mul3A_348 : vector<16xf32>
          %mul3A_352 = arith.mulf %bitcast_convert_type3A_343, %sub3A_351 : vector<16xf32>
          %mul3A_353 = arith.constant 5.000000e-01 : f32
          %mul3A_354 = vector.broadcast %mul3A_353 : f32 to vector<16xf32>
          %mul3A_355 = arith.mulf %mul3A_354, %add3A_335 : vector<16xf32>
          %mul3A_356 = arith.mulf %mul3A_355, %mul3A_352 : vector<16xf32>
          %mul3A_357 = arith.mulf %mul3A_356, %mul3A_352 : vector<16xf32>
          %sub3A_358 = arith.constant 1.500000e+00 : f32
          %sub3A_359 = vector.broadcast %sub3A_358 : f32 to vector<16xf32>
          %sub3A_360 = arith.subf %sub3A_359, %mul3A_357 : vector<16xf32>
          %mul3A_361 = arith.mulf %mul3A_352, %sub3A_360 : vector<16xf32>
          %shift_right_arithmetic3A_362 = arith.constant 3 : i32
          %shift_right_arithmetic3A_363 = arith.shrsi %add3A_301, %shift_right_arithmetic3A_362 : i32
          %mul3A_364 = arith.constant 512 : i32
          %mul3A_365 = arith.muli %shift_right_arithmetic3A_363, %mul3A_364 : i32
          %and3A_366 = arith.constant 7 : i32
          %and3A_367 = arith.andi %add3A_301, %and3A_366 : i32
          %mul3A_368 = arith.constant 16 : i32
          %mul3A_369 = arith.muli %and3A_367, %mul3A_368 : i32
          %add3A_370 = arith.addi %mul3A_365, %mul3A_369 : i32
          %add3A_371 = vector.broadcast %add3A_370 : i32 to vector<16xi32>
          %add3A_372 = arith.addi %add3A_371, %iota3A : vector<16xi32>
          %mul3A_373 = arith.mulf %add3A_335, %mul3A_361 : vector<16xf32>
          tpu.vector_store_idx %arg13[%add3A_372], %mul3A_373 : memref<12800xf32, #tpu.memory_space<vmem>>[vector<16xi32>], vector<16xf32>,
          %add3A_374 = arith.constant 128 : i32
          %add3A_375 = vector.broadcast %add3A_374 : i32 to vector<16xi32>
          %add3A_376 = arith.addi %add3A_372, %add3A_375 : vector<16xi32>
          %mul3A_377 = arith.mulf %sub3A_312, %mul3A_361 : vector<16xf32>
          tpu.vector_store_idx %arg13[%add3A_376], %mul3A_377 : memref<12800xf32, #tpu.memory_space<vmem>>[vector<16xi32>], vector<16xf32>,
          %add3A_378 = arith.constant 256 : i32
          %add3A_379 = vector.broadcast %add3A_378 : i32 to vector<16xi32>
          %add3A_380 = arith.addi %add3A_372, %add3A_379 : vector<16xi32>
          %mul3A_381 = arith.mulf %sub3A_321, %mul3A_361 : vector<16xf32>
          tpu.vector_store_idx %arg13[%add3A_380], %mul3A_381 : memref<12800xf32, #tpu.memory_space<vmem>>[vector<16xi32>], vector<16xf32>,
          %add3A_382 = arith.constant 384 : i32
          %add3A_383 = vector.broadcast %add3A_382 : i32 to vector<16xi32>
          %add3A_384 = arith.addi %add3A_372, %add3A_383 : vector<16xi32>
          %mul3A_385 = arith.mulf %sub3A_330, %mul3A_361 : vector<16xf32>
          tpu.vector_store_idx %arg13[%add3A_384], %mul3A_385 : memref<12800xf32, #tpu.memory_space<vmem>>[vector<16xi32>], vector<16xf32>,
        }
        %scan3A_206 = arith.constant 100 : i32
        %mul3A_207 = arith.constant 32 : i32
        %mul3A_208 = arith.muli %mul3A_100, %mul3A_207 : i32
        %add3A_209 = arith.addi %add3A, %mul3A_208 : i32
        %mul3A_210 = arith.constant 4 : i32
        %mul3A_211 = arith.muli %mul3A_210, %add3A_209 : i32
        %mul3A_212 = arith.constant 3200 : i32
        %mul3A_213 = arith.muli %mul3A_211, %mul3A_212 : i32
        %dma_start3A_214 = tpu.memref_slice %arg6[%mul3A_213] : memref<25600000xf32, #tpu.memory_space<hbm>> -> memref<12800xf32, #tpu.memory_space<hbm>>
        %dma_start3A_215 = tpu.memref_slice %arg6[%mul3A_213] : memref<25600000xf32, #tpu.memory_space<hbm>> -> memref<12800xf32, #tpu.memory_space<hbm>>
        tpu.enqueue_dma source(%arg13 : memref<12800xf32, #tpu.memory_space<vmem>>) target(%dma_start3A_215 : memref<12800xf32, #tpu.memory_space<hbm>>) target_semaphore(%arg22 : memref<!tpu.dma_semaphore, #tpu.memory_space<semaphore_mem>>)
      } else {
      }
      %add3A_119 = arith.constant 2 : i32
      %add3A_120 = arith.addi %mul3A_100, %add3A_119 : i32
      %mul3A_121 = arith.constant 32 : i32
      %mul3A_122 = arith.muli %add3A_120, %mul3A_121 : i32
      %add3A_123 = arith.addi %add3A, %mul3A_122 : i32
      %lt3A_124 = arith.constant 2000 : i32
      %lt3A_125 = arith.cmpi slt, %add3A_123, %lt3A_124 : i32
      %convert_element_type3A_126 = arith.extui %lt3A_125 : i1 to i32
      %cond3A_127 = arith.constant 0 : i32
      %cond3A_128 = arith.cmpi ne, %convert_element_type3A_126, %cond3A_127 : i32
      scf.if %cond3A_128 {
        %add3A_161 = arith.constant 2 : i32
        %add3A_162 = arith.addi %mul3A_100, %add3A_161 : i32
        %mul3A_163 = arith.constant 32 : i32
        %mul3A_164 = arith.muli %add3A_162, %mul3A_163 : i32
        %add3A_165 = arith.addi %add3A, %mul3A_164 : i32
        %mul3A_166 = arith.constant 3200 : i32
        %mul3A_167 = arith.muli %add3A_165, %mul3A_166 : i32
        %dma_start3A_168 = tpu.memref_slice %arg2[%mul3A_167] : memref<12800000xi32, #tpu.memory_space<hbm>> -> memref<3200xi32, #tpu.memory_space<hbm>>
        %dma_start3A_169 = tpu.memref_slice %arg2[%mul3A_167] : memref<12800000xi32, #tpu.memory_space<hbm>> -> memref<3200xi32, #tpu.memory_space<hbm>>
        tpu.enqueue_dma source(%dma_start3A_169 : memref<3200xi32, #tpu.memory_space<hbm>>) target(%arg7 : memref<3200xi32, #tpu.memory_space<vmem>>) target_semaphore(%arg18 : memref<!tpu.dma_semaphore, #tpu.memory_space<semaphore_mem>>)
        %add3A_170 = arith.constant 6400000 : i32
        %add3A_171 = arith.addi %add3A_170, %mul3A_167 : i32
        %dma_start3A_172 = tpu.memref_slice %arg2[%add3A_171] : memref<12800000xi32, #tpu.memory_space<hbm>> -> memref<3200xi32, #tpu.memory_space<hbm>>
        %dma_start3A_173 = tpu.memref_slice %arg2[%add3A_171] : memref<12800000xi32, #tpu.memory_space<hbm>> -> memref<3200xi32, #tpu.memory_space<hbm>>
        tpu.enqueue_dma source(%dma_start3A_173 : memref<3200xi32, #tpu.memory_space<hbm>>) target(%arg9 : memref<3200xi32, #tpu.memory_space<vmem>>) target_semaphore(%arg18 : memref<!tpu.dma_semaphore, #tpu.memory_space<semaphore_mem>>)
      } else {
      }
      %mul3A_129 = arith.constant 2 : i32
      %mul3A_130 = arith.muli %mul3A_129, %scan3A_98 : i32
      %add3A_131 = arith.constant 1 : i32
      %add3A_132 = arith.addi %mul3A_130, %add3A_131 : i32
      %add3A_133 = arith.constant 1 : i32
      %add3A_134 = arith.addi %add3A_132, %add3A_133 : i32
      %mul3A_135 = arith.constant 32 : i32
      %mul3A_136 = arith.muli %add3A_134, %mul3A_135 : i32
      %add3A_137 = arith.addi %add3A, %mul3A_136 : i32
      %lt3A_138 = arith.constant 2000 : i32
      %lt3A_139 = arith.cmpi slt, %add3A_137, %lt3A_138 : i32
      %convert_element_type3A_140 = arith.extui %lt3A_139 : i1 to i32
      %cond3A_141 = arith.constant 0 : i32
      %cond3A_142 = arith.cmpi ne, %convert_element_type3A_140, %cond3A_141 : i32
      scf.if %cond3A_142 {
        %dma_wait3A_161 = arith.constant 0 : i32
        %dma_wait3A_162 = tpu.memref_slice %arg2[%dma_wait3A_161] : memref<12800000xi32, #tpu.memory_space<hbm>> -> memref<3200xi32, #tpu.memory_space<hbm>>
        %dma_wait3A_163 = arith.constant 0 : i32
        %dma_wait3A_164 = tpu.memref_slice %arg2[%dma_wait3A_163] : memref<12800000xi32, #tpu.memory_space<hbm>> -> memref<3200xi32, #tpu.memory_space<hbm>>
        tpu.wait_dma2 semaphore(%arg18 : memref<!tpu.dma_semaphore, #tpu.memory_space<semaphore_mem>>) src(%dma_wait3A_164 : memref<3200xi32, #tpu.memory_space<hbm>>) dst(%arg7 : memref<3200xi32, #tpu.memory_space<vmem>>)
        %dma_wait3A_165 = arith.constant 0 : i32
        %dma_wait3A_166 = tpu.memref_slice %arg2[%dma_wait3A_165] : memref<12800000xi32, #tpu.memory_space<hbm>> -> memref<3200xi32, #tpu.memory_space<hbm>>
        %dma_wait3A_167 = arith.constant 0 : i32
        %dma_wait3A_168 = tpu.memref_slice %arg2[%dma_wait3A_167] : memref<12800000xi32, #tpu.memory_space<hbm>> -> memref<3200xi32, #tpu.memory_space<hbm>>
        tpu.wait_dma2 semaphore(%arg18 : memref<!tpu.dma_semaphore, #tpu.memory_space<semaphore_mem>>) src(%dma_wait3A_168 : memref<3200xi32, #tpu.memory_space<hbm>>) dst(%arg9 : memref<3200xi32, #tpu.memory_space<vmem>>)
        %dma_start3A_169 = arith.constant 0 : i32
        %dma_start3A_170 = arith.constant 0 : i32
        %dma_start3A_171 = tpu.memref_slice %arg11[%dma_start3A_169, %dma_start3A_170] : memref<6x3200xf32, #tpu.memory_space<vmem>> -> memref<1x3200xf32, #tpu.memory_space<vmem>>
        %dma_start3A_172 = tpu.memref_squeeze %dma_start3A_171 : memref<1x3200xf32, #tpu.memory_space<vmem>> -> memref<3200xf32, #tpu.memory_space<vmem>>
        %dma_start3A_173 = arith.constant 0 : i32
        %dma_start3A_174 = tpu.memref_slice %arg15[%dma_start3A_173] : memref<100000xf32, #tpu.memory_space<vmem_shared>> -> memref<100000xf32, #tpu.memory_space<vmem_shared>>
        tpu.enqueue_indirect_dma source(%dma_start3A_174 : memref<100000xf32, #tpu.memory_space<vmem_shared>>) target(%dma_start3A_172 : memref<3200xf32, #tpu.memory_space<vmem>>) offsets(%arg7 : memref<3200xi32, #tpu.memory_space<vmem>>) semaphore(%arg20 : memref<!tpu.dma_semaphore, #tpu.memory_space<semaphore_mem>>)
        %dma_start3A_175 = arith.constant 1 : i32
        %dma_start3A_176 = arith.constant 0 : i32
        %dma_start3A_177 = tpu.memref_slice %arg11[%dma_start3A_175, %dma_start3A_176] : memref<6x3200xf32, #tpu.memory_space<vmem>> -> memref<1x3200xf32, #tpu.memory_space<vmem>>
        %dma_start3A_178 = tpu.memref_squeeze %dma_start3A_177 : memref<1x3200xf32, #tpu.memory_space<vmem>> -> memref<3200xf32, #tpu.memory_space<vmem>>
        %dma_start3A_179 = arith.constant 0 : i32
        %dma_start3A_180 = tpu.memref_slice %arg16[%dma_start3A_179] : memref<100000xf32, #tpu.memory_space<vmem_shared>> -> memref<100000xf32, #tpu.memory_space<vmem_shared>>
        tpu.enqueue_indirect_dma source(%dma_start3A_180 : memref<100000xf32, #tpu.memory_space<vmem_shared>>) target(%dma_start3A_178 : memref<3200xf32, #tpu.memory_space<vmem>>) offsets(%arg7 : memref<3200xi32, #tpu.memory_space<vmem>>) semaphore(%arg20 : memref<!tpu.dma_semaphore, #tpu.memory_space<semaphore_mem>>)
        %dma_start3A_181 = arith.constant 2 : i32
        %dma_start3A_182 = arith.constant 0 : i32
        %dma_start3A_183 = tpu.memref_slice %arg11[%dma_start3A_181, %dma_start3A_182] : memref<6x3200xf32, #tpu.memory_space<vmem>> -> memref<1x3200xf32, #tpu.memory_space<vmem>>
        %dma_start3A_184 = tpu.memref_squeeze %dma_start3A_183 : memref<1x3200xf32, #tpu.memory_space<vmem>> -> memref<3200xf32, #tpu.memory_space<vmem>>
        %dma_start3A_185 = arith.constant 0 : i32
        %dma_start3A_186 = tpu.memref_slice %arg17[%dma_start3A_185] : memref<100000xf32, #tpu.memory_space<vmem_shared>> -> memref<100000xf32, #tpu.memory_space<vmem_shared>>
        tpu.enqueue_indirect_dma source(%dma_start3A_186 : memref<100000xf32, #tpu.memory_space<vmem_shared>>) target(%dma_start3A_184 : memref<3200xf32, #tpu.memory_space<vmem>>) offsets(%arg7 : memref<3200xi32, #tpu.memory_space<vmem>>) semaphore(%arg20 : memref<!tpu.dma_semaphore, #tpu.memory_space<semaphore_mem>>)
        %dma_start3A_187 = arith.constant 3 : i32
        %dma_start3A_188 = arith.constant 0 : i32
        %dma_start3A_189 = tpu.memref_slice %arg11[%dma_start3A_187, %dma_start3A_188] : memref<6x3200xf32, #tpu.memory_space<vmem>> -> memref<1x3200xf32, #tpu.memory_space<vmem>>
        %dma_start3A_190 = tpu.memref_squeeze %dma_start3A_189 : memref<1x3200xf32, #tpu.memory_space<vmem>> -> memref<3200xf32, #tpu.memory_space<vmem>>
        %dma_start3A_191 = arith.constant 0 : i32
        %dma_start3A_192 = tpu.memref_slice %arg15[%dma_start3A_191] : memref<100000xf32, #tpu.memory_space<vmem_shared>> -> memref<100000xf32, #tpu.memory_space<vmem_shared>>
        tpu.enqueue_indirect_dma source(%dma_start3A_192 : memref<100000xf32, #tpu.memory_space<vmem_shared>>) target(%dma_start3A_190 : memref<3200xf32, #tpu.memory_space<vmem>>) offsets(%arg9 : memref<3200xi32, #tpu.memory_space<vmem>>) semaphore(%arg20 : memref<!tpu.dma_semaphore, #tpu.memory_space<semaphore_mem>>)
        %dma_start3A_193 = arith.constant 4 : i32
        %dma_start3A_194 = arith.constant 0 : i32
        %dma_start3A_195 = tpu.memref_slice %arg11[%dma_start3A_193, %dma_start3A_194] : memref<6x3200xf32, #tpu.memory_space<vmem>> -> memref<1x3200xf32, #tpu.memory_space<vmem>>
        %dma_start3A_196 = tpu.memref_squeeze %dma_start3A_195 : memref<1x3200xf32, #tpu.memory_space<vmem>> -> memref<3200xf32, #tpu.memory_space<vmem>>
        %dma_start3A_197 = arith.constant 0 : i32
        %dma_start3A_198 = tpu.memref_slice %arg16[%dma_start3A_197] : memref<100000xf32, #tpu.memory_space<vmem_shared>> -> memref<100000xf32, #tpu.memory_space<vmem_shared>>
        tpu.enqueue_indirect_dma source(%dma_start3A_198 : memref<100000xf32, #tpu.memory_space<vmem_shared>>) target(%dma_start3A_196 : memref<3200xf32, #tpu.memory_space<vmem>>) offsets(%arg9 : memref<3200xi32, #tpu.memory_space<vmem>>) semaphore(%arg20 : memref<!tpu.dma_semaphore, #tpu.memory_space<semaphore_mem>>)
        %dma_start3A_199 = arith.constant 5 : i32
        %dma_start3A_200 = arith.constant 0 : i32
        %dma_start3A_201 = tpu.memref_slice %arg11[%dma_start3A_199, %dma_start3A_200] : memref<6x3200xf32, #tpu.memory_space<vmem>> -> memref<1x3200xf32, #tpu.memory_space<vmem>>
        %dma_start3A_202 = tpu.memref_squeeze %dma_start3A_201 : memref<1x3200xf32, #tpu.memory_space<vmem>> -> memref<3200xf32, #tpu.memory_space<vmem>>
        %dma_start3A_203 = arith.constant 0 : i32
        %dma_start3A_204 = tpu.memref_slice %arg17[%dma_start3A_203] : memref<100000xf32, #tpu.memory_space<vmem_shared>> -> memref<100000xf32, #tpu.memory_space<vmem_shared>>
        tpu.enqueue_indirect_dma source(%dma_start3A_204 : memref<100000xf32, #tpu.memory_space<vmem_shared>>) target(%dma_start3A_202 : memref<3200xf32, #tpu.memory_space<vmem>>) offsets(%arg9 : memref<3200xi32, #tpu.memory_space<vmem>>) semaphore(%arg20 : memref<!tpu.dma_semaphore, #tpu.memory_space<semaphore_mem>>)
      } else {
      }
      %mul3A_143 = arith.constant 32 : i32
      %mul3A_144 = arith.muli %add3A_132, %mul3A_143 : i32
      %add3A_145 = arith.addi %add3A, %mul3A_144 : i32
      %lt3A_146 = arith.constant 2000 : i32
      %lt3A_147 = arith.cmpi slt, %add3A_145, %lt3A_146 : i32
      %convert_element_type3A_148 = arith.extui %lt3A_147 : i1 to i32
      %cond3A_149 = arith.constant 0 : i32
      %cond3A_150 = arith.cmpi ne, %convert_element_type3A_148, %cond3A_149 : i32
      scf.if %cond3A_150 {
        %dma_wait3A_161 = arith.constant 0 : i32
        %dma_wait3A_162 = arith.constant 0 : i32
        %dma_wait3A_163 = tpu.memref_slice %arg12[%dma_wait3A_161, %dma_wait3A_162] : memref<6x3200xf32, #tpu.memory_space<vmem>> -> memref<1x3200xf32, #tpu.memory_space<vmem>>
        %dma_wait3A_164 = tpu.memref_squeeze %dma_wait3A_163 : memref<1x3200xf32, #tpu.memory_space<vmem>> -> memref<3200xf32, #tpu.memory_space<vmem>>
        %dma_wait3A_165 = arith.constant 0 : i32
        %dma_wait3A_166 = tpu.memref_slice %arg15[%dma_wait3A_165] : memref<100000xf32, #tpu.memory_space<vmem_shared>> -> memref<100000xf32, #tpu.memory_space<vmem_shared>>
        tpu.wait_indirect_dma semaphore(%arg21 : memref<!tpu.dma_semaphore, #tpu.memory_space<semaphore_mem>>) src(%dma_wait3A_166 : memref<100000xf32, #tpu.memory_space<vmem_shared>>) dst(%dma_wait3A_164 : memref<3200xf32, #tpu.memory_space<vmem>>)
        %dma_wait3A_167 = arith.constant 1 : i32
        %dma_wait3A_168 = arith.constant 0 : i32
        %dma_wait3A_169 = tpu.memref_slice %arg12[%dma_wait3A_167, %dma_wait3A_168] : memref<6x3200xf32, #tpu.memory_space<vmem>> -> memref<1x3200xf32, #tpu.memory_space<vmem>>
        %dma_wait3A_170 = tpu.memref_squeeze %dma_wait3A_169 : memref<1x3200xf32, #tpu.memory_space<vmem>> -> memref<3200xf32, #tpu.memory_space<vmem>>
        %dma_wait3A_171 = arith.constant 0 : i32
        %dma_wait3A_172 = tpu.memref_slice %arg15[%dma_wait3A_171] : memref<100000xf32, #tpu.memory_space<vmem_shared>> -> memref<100000xf32, #tpu.memory_space<vmem_shared>>
        tpu.wait_indirect_dma semaphore(%arg21 : memref<!tpu.dma_semaphore, #tpu.memory_space<semaphore_mem>>) src(%dma_wait3A_172 : memref<100000xf32, #tpu.memory_space<vmem_shared>>) dst(%dma_wait3A_170 : memref<3200xf32, #tpu.memory_space<vmem>>)
        %dma_wait3A_173 = arith.constant 2 : i32
        %dma_wait3A_174 = arith.constant 0 : i32
        %dma_wait3A_175 = tpu.memref_slice %arg12[%dma_wait3A_173, %dma_wait3A_174] : memref<6x3200xf32, #tpu.memory_space<vmem>> -> memref<1x3200xf32, #tpu.memory_space<vmem>>
        %dma_wait3A_176 = tpu.memref_squeeze %dma_wait3A_175 : memref<1x3200xf32, #tpu.memory_space<vmem>> -> memref<3200xf32, #tpu.memory_space<vmem>>
        %dma_wait3A_177 = arith.constant 0 : i32
        %dma_wait3A_178 = tpu.memref_slice %arg15[%dma_wait3A_177] : memref<100000xf32, #tpu.memory_space<vmem_shared>> -> memref<100000xf32, #tpu.memory_space<vmem_shared>>
        tpu.wait_indirect_dma semaphore(%arg21 : memref<!tpu.dma_semaphore, #tpu.memory_space<semaphore_mem>>) src(%dma_wait3A_178 : memref<100000xf32, #tpu.memory_space<vmem_shared>>) dst(%dma_wait3A_176 : memref<3200xf32, #tpu.memory_space<vmem>>)
        %dma_wait3A_179 = arith.constant 3 : i32
        %dma_wait3A_180 = arith.constant 0 : i32
        %dma_wait3A_181 = tpu.memref_slice %arg12[%dma_wait3A_179, %dma_wait3A_180] : memref<6x3200xf32, #tpu.memory_space<vmem>> -> memref<1x3200xf32, #tpu.memory_space<vmem>>
        %dma_wait3A_182 = tpu.memref_squeeze %dma_wait3A_181 : memref<1x3200xf32, #tpu.memory_space<vmem>> -> memref<3200xf32, #tpu.memory_space<vmem>>
        %dma_wait3A_183 = arith.constant 0 : i32
        %dma_wait3A_184 = tpu.memref_slice %arg15[%dma_wait3A_183] : memref<100000xf32, #tpu.memory_space<vmem_shared>> -> memref<100000xf32, #tpu.memory_space<vmem_shared>>
        tpu.wait_indirect_dma semaphore(%arg21 : memref<!tpu.dma_semaphore, #tpu.memory_space<semaphore_mem>>) src(%dma_wait3A_184 : memref<100000xf32, #tpu.memory_space<vmem_shared>>) dst(%dma_wait3A_182 : memref<3200xf32, #tpu.memory_space<vmem>>)
        %dma_wait3A_185 = arith.constant 4 : i32
        %dma_wait3A_186 = arith.constant 0 : i32
        %dma_wait3A_187 = tpu.memref_slice %arg12[%dma_wait3A_185, %dma_wait3A_186] : memref<6x3200xf32, #tpu.memory_space<vmem>> -> memref<1x3200xf32, #tpu.memory_space<vmem>>
        %dma_wait3A_188 = tpu.memref_squeeze %dma_wait3A_187 : memref<1x3200xf32, #tpu.memory_space<vmem>> -> memref<3200xf32, #tpu.memory_space<vmem>>
        %dma_wait3A_189 = arith.constant 0 : i32
        %dma_wait3A_190 = tpu.memref_slice %arg15[%dma_wait3A_189] : memref<100000xf32, #tpu.memory_space<vmem_shared>> -> memref<100000xf32, #tpu.memory_space<vmem_shared>>
        tpu.wait_indirect_dma semaphore(%arg21 : memref<!tpu.dma_semaphore, #tpu.memory_space<semaphore_mem>>) src(%dma_wait3A_190 : memref<100000xf32, #tpu.memory_space<vmem_shared>>) dst(%dma_wait3A_188 : memref<3200xf32, #tpu.memory_space<vmem>>)
        %dma_wait3A_191 = arith.constant 5 : i32
        %dma_wait3A_192 = arith.constant 0 : i32
        %dma_wait3A_193 = tpu.memref_slice %arg12[%dma_wait3A_191, %dma_wait3A_192] : memref<6x3200xf32, #tpu.memory_space<vmem>> -> memref<1x3200xf32, #tpu.memory_space<vmem>>
        %dma_wait3A_194 = tpu.memref_squeeze %dma_wait3A_193 : memref<1x3200xf32, #tpu.memory_space<vmem>> -> memref<3200xf32, #tpu.memory_space<vmem>>
        %dma_wait3A_195 = arith.constant 0 : i32
        %dma_wait3A_196 = tpu.memref_slice %arg15[%dma_wait3A_195] : memref<100000xf32, #tpu.memory_space<vmem_shared>> -> memref<100000xf32, #tpu.memory_space<vmem_shared>>
        tpu.wait_indirect_dma semaphore(%arg21 : memref<!tpu.dma_semaphore, #tpu.memory_space<semaphore_mem>>) src(%dma_wait3A_196 : memref<100000xf32, #tpu.memory_space<vmem_shared>>) dst(%dma_wait3A_194 : memref<3200xf32, #tpu.memory_space<vmem>>)
        %ge3A = arith.constant 2 : i32
        %ge3A_197 = arith.cmpi sge, %add3A_132, %ge3A : i32
        %convert_element_type3A_198 = arith.extui %ge3A_197 : i1 to i32
        %cond3A_199 = arith.constant 0 : i32
        %cond3A_200 = arith.cmpi ne, %convert_element_type3A_198, %cond3A_199 : i32
        scf.if %cond3A_200 {
          %dma_wait3A_216 = arith.constant 0 : i32
          %dma_wait3A_217 = tpu.memref_slice %arg6[%dma_wait3A_216] : memref<25600000xf32, #tpu.memory_space<hbm>> -> memref<12800xf32, #tpu.memory_space<hbm>>
          %dma_wait3A_218 = arith.constant 0 : i32
          %dma_wait3A_219 = tpu.memref_slice %arg6[%dma_wait3A_218] : memref<25600000xf32, #tpu.memory_space<hbm>> -> memref<12800xf32, #tpu.memory_space<hbm>>
          tpu.wait_dma2 semaphore(%arg23 : memref<!tpu.dma_semaphore, #tpu.memory_space<semaphore_mem>>) src(%arg14 : memref<12800xf32, #tpu.memory_space<vmem>>) dst(%dma_wait3A_219 : memref<12800xf32, #tpu.memory_space<hbm>>)
        } else {
        }
        %scan3A_201 = arith.constant 0 : i32
        %scan3A_202 = arith.constant 0 : i32
        %scan3A_203 = arith.constant 100 : i32
        %scan3A_204 = arith.addi %scan3A_202, %scan3A_203 : i32
        %scan3A_205 = arith.constant 1 : i32
        scf.for %scan3A_216 = %scan3A_202 to %scan3A_204 step %scan3A_205  : i32 {
          %mul3A_217 = arith.constant 2 : i32
          %mul3A_218 = arith.muli %mul3A_217, %scan3A_216 : i32
          %mul3A_219 = arith.constant 16 : i32
          %mul3A_220 = arith.muli %mul3A_218, %mul3A_219 : i32
          %get3A = arith.constant 0 : i32
          %get3A_221 = arith.index_cast %get3A : i32 to index
          %get3A_222 = arith.index_cast %mul3A_220 : i32 to index
          %get3A_223 = tpu.vector_load %arg12[%get3A_221, %get3A_222] {strides = array<i32>} : memref<6x3200xf32, #tpu.memory_space<vmem>>, vector<16xf32>,
          %get3A_224 = arith.constant 3 : i32
          %get3A_225 = arith.index_cast %get3A_224 : i32 to index
          %get3A_226 = arith.index_cast %mul3A_220 : i32 to index
          %get3A_227 = tpu.vector_load %arg12[%get3A_225, %get3A_226] {strides = array<i32>} : memref<6x3200xf32, #tpu.memory_space<vmem>>, vector<16xf32>,
          %sub3A = arith.subf %get3A_223, %get3A_227 : vector<16xf32>
          %get3A_228 = arith.constant 1 : i32
          %get3A_229 = arith.index_cast %get3A_228 : i32 to index
          %get3A_230 = arith.index_cast %mul3A_220 : i32 to index
          %get3A_231 = tpu.vector_load %arg12[%get3A_229, %get3A_230] {strides = array<i32>} : memref<6x3200xf32, #tpu.memory_space<vmem>>, vector<16xf32>,
          %get3A_232 = arith.constant 4 : i32
          %get3A_233 = arith.index_cast %get3A_232 : i32 to index
          %get3A_234 = arith.index_cast %mul3A_220 : i32 to index
          %get3A_235 = tpu.vector_load %arg12[%get3A_233, %get3A_234] {strides = array<i32>} : memref<6x3200xf32, #tpu.memory_space<vmem>>, vector<16xf32>,
          %sub3A_236 = arith.subf %get3A_231, %get3A_235 : vector<16xf32>
          %get3A_237 = arith.constant 2 : i32
          %get3A_238 = arith.index_cast %get3A_237 : i32 to index
          %get3A_239 = arith.index_cast %mul3A_220 : i32 to index
          %get3A_240 = tpu.vector_load %arg12[%get3A_238, %get3A_239] {strides = array<i32>} : memref<6x3200xf32, #tpu.memory_space<vmem>>, vector<16xf32>,
          %get3A_241 = arith.constant 5 : i32
          %get3A_242 = arith.index_cast %get3A_241 : i32 to index
          %get3A_243 = arith.index_cast %mul3A_220 : i32 to index
          %get3A_244 = tpu.vector_load %arg12[%get3A_242, %get3A_243] {strides = array<i32>} : memref<6x3200xf32, #tpu.memory_space<vmem>>, vector<16xf32>,
          %sub3A_245 = arith.subf %get3A_240, %get3A_244 : vector<16xf32>
          %mul3A_246 = arith.mulf %sub3A, %sub3A : vector<16xf32>
          %mul3A_247 = arith.mulf %sub3A_236, %sub3A_236 : vector<16xf32>
          %add3A_248 = arith.addf %mul3A_246, %mul3A_247 : vector<16xf32>
          %mul3A_249 = arith.mulf %sub3A_245, %sub3A_245 : vector<16xf32>
          %add3A_250 = arith.addf %add3A_248, %mul3A_249 : vector<16xf32>
          %bitcast_convert_type3A = tpu.bitcast %add3A_250 : vector<16xf32> -> vector<16xi32>
          %shift_right_arithmetic3A = arith.constant 1 : i32
          %shift_right_arithmetic3A_251 = vector.broadcast %shift_right_arithmetic3A : i32 to vector<16xi32>
          %shift_right_arithmetic3A_252 = arith.shrsi %bitcast_convert_type3A, %shift_right_arithmetic3A_251 : vector<16xi32>
          %sub3A_253 = arith.constant 1597463007 : i32
          %sub3A_254 = vector.broadcast %sub3A_253 : i32 to vector<16xi32>
          %sub3A_255 = arith.subi %sub3A_254, %shift_right_arithmetic3A_252 : vector<16xi32>
          %bitcast_convert_type3A_256 = tpu.bitcast %sub3A_255 : vector<16xi32> -> vector<16xf32>
          %mul3A_257 = arith.constant 5.000000e-01 : f32
          %mul3A_258 = vector.broadcast %mul3A_257 : f32 to vector<16xf32>
          %mul3A_259 = arith.mulf %mul3A_258, %add3A_250 : vector<16xf32>
          %mul3A_260 = arith.mulf %mul3A_259, %bitcast_convert_type3A_256 : vector<16xf32>
          %mul3A_261 = arith.mulf %mul3A_260, %bitcast_convert_type3A_256 : vector<16xf32>
          %sub3A_262 = arith.constant 1.500000e+00 : f32
          %sub3A_263 = vector.broadcast %sub3A_262 : f32 to vector<16xf32>
          %sub3A_264 = arith.subf %sub3A_263, %mul3A_261 : vector<16xf32>
          %mul3A_265 = arith.mulf %bitcast_convert_type3A_256, %sub3A_264 : vector<16xf32>
          %mul3A_266 = arith.constant 5.000000e-01 : f32
          %mul3A_267 = vector.broadcast %mul3A_266 : f32 to vector<16xf32>
          %mul3A_268 = arith.mulf %mul3A_267, %add3A_250 : vector<16xf32>
          %mul3A_269 = arith.mulf %mul3A_268, %mul3A_265 : vector<16xf32>
          %mul3A_270 = arith.mulf %mul3A_269, %mul3A_265 : vector<16xf32>
          %sub3A_271 = arith.constant 1.500000e+00 : f32
          %sub3A_272 = vector.broadcast %sub3A_271 : f32 to vector<16xf32>
          %sub3A_273 = arith.subf %sub3A_272, %mul3A_270 : vector<16xf32>
          %mul3A_274 = arith.mulf %mul3A_265, %sub3A_273 : vector<16xf32>
          %shift_right_arithmetic3A_275 = arith.constant 3 : i32
          %shift_right_arithmetic3A_276 = arith.shrsi %mul3A_218, %shift_right_arithmetic3A_275 : i32
          %mul3A_277 = arith.constant 512 : i32
          %mul3A_278 = arith.muli %shift_right_arithmetic3A_276, %mul3A_277 : i32
          %and3A = arith.constant 7 : i32
          %and3A_279 = arith.andi %mul3A_218, %and3A : i32
          %mul3A_280 = arith.constant 16 : i32
          %mul3A_281 = arith.muli %and3A_279, %mul3A_280 : i32
          %add3A_282 = arith.addi %mul3A_278, %mul3A_281 : i32
          %add3A_283 = vector.broadcast %add3A_282 : i32 to vector<16xi32>
          %add3A_284 = arith.addi %add3A_283, %iota3A : vector<16xi32>
          %mul3A_285 = arith.mulf %add3A_250, %mul3A_274 : vector<16xf32>
          tpu.vector_store_idx %arg14[%add3A_284], %mul3A_285 : memref<12800xf32, #tpu.memory_space<vmem>>[vector<16xi32>], vector<16xf32>,
          %add3A_286 = arith.constant 128 : i32
          %add3A_287 = vector.broadcast %add3A_286 : i32 to vector<16xi32>
          %add3A_288 = arith.addi %add3A_284, %add3A_287 : vector<16xi32>
          %mul3A_289 = arith.mulf %sub3A, %mul3A_274 : vector<16xf32>
          tpu.vector_store_idx %arg14[%add3A_288], %mul3A_289 : memref<12800xf32, #tpu.memory_space<vmem>>[vector<16xi32>], vector<16xf32>,
          %add3A_290 = arith.constant 256 : i32
          %add3A_291 = vector.broadcast %add3A_290 : i32 to vector<16xi32>
          %add3A_292 = arith.addi %add3A_284, %add3A_291 : vector<16xi32>
          %mul3A_293 = arith.mulf %sub3A_236, %mul3A_274 : vector<16xf32>
          tpu.vector_store_idx %arg14[%add3A_292], %mul3A_293 : memref<12800xf32, #tpu.memory_space<vmem>>[vector<16xi32>], vector<16xf32>,
          %add3A_294 = arith.constant 384 : i32
          %add3A_295 = vector.broadcast %add3A_294 : i32 to vector<16xi32>
          %add3A_296 = arith.addi %add3A_284, %add3A_295 : vector<16xi32>
          %mul3A_297 = arith.mulf %sub3A_245, %mul3A_274 : vector<16xf32>
          tpu.vector_store_idx %arg14[%add3A_296], %mul3A_297 : memref<12800xf32, #tpu.memory_space<vmem>>[vector<16xi32>], vector<16xf32>,
          %mul3A_298 = arith.constant 2 : i32
          %mul3A_299 = arith.muli %mul3A_298, %scan3A_216 : i32
          %add3A_300 = arith.constant 1 : i32
          %add3A_301 = arith.addi %mul3A_299, %add3A_300 : i32
          %mul3A_302 = arith.constant 16 : i32
          %mul3A_303 = arith.muli %add3A_301, %mul3A_302 : i32
          %get3A_304 = arith.constant 0 : i32
          %get3A_305 = arith.index_cast %get3A_304 : i32 to index
          %get3A_306 = arith.index_cast %mul3A_303 : i32 to index
          %get3A_307 = tpu.vector_load %arg12[%get3A_305, %get3A_306] {strides = array<i32>} : memref<6x3200xf32, #tpu.memory_space<vmem>>, vector<16xf32>,
          %get3A_308 = arith.constant 3 : i32
          %get3A_309 = arith.index_cast %get3A_308 : i32 to index
          %get3A_310 = arith.index_cast %mul3A_303 : i32 to index
          %get3A_311 = tpu.vector_load %arg12[%get3A_309, %get3A_310] {strides = array<i32>} : memref<6x3200xf32, #tpu.memory_space<vmem>>, vector<16xf32>,
          %sub3A_312 = arith.subf %get3A_307, %get3A_311 : vector<16xf32>
          %get3A_313 = arith.constant 1 : i32
          %get3A_314 = arith.index_cast %get3A_313 : i32 to index
          %get3A_315 = arith.index_cast %mul3A_303 : i32 to index
          %get3A_316 = tpu.vector_load %arg12[%get3A_314, %get3A_315] {strides = array<i32>} : memref<6x3200xf32, #tpu.memory_space<vmem>>, vector<16xf32>,
          %get3A_317 = arith.constant 4 : i32
          %get3A_318 = arith.index_cast %get3A_317 : i32 to index
          %get3A_319 = arith.index_cast %mul3A_303 : i32 to index
          %get3A_320 = tpu.vector_load %arg12[%get3A_318, %get3A_319] {strides = array<i32>} : memref<6x3200xf32, #tpu.memory_space<vmem>>, vector<16xf32>,
          %sub3A_321 = arith.subf %get3A_316, %get3A_320 : vector<16xf32>
          %get3A_322 = arith.constant 2 : i32
          %get3A_323 = arith.index_cast %get3A_322 : i32 to index
          %get3A_324 = arith.index_cast %mul3A_303 : i32 to index
          %get3A_325 = tpu.vector_load %arg12[%get3A_323, %get3A_324] {strides = array<i32>} : memref<6x3200xf32, #tpu.memory_space<vmem>>, vector<16xf32>,
          %get3A_326 = arith.constant 5 : i32
          %get3A_327 = arith.index_cast %get3A_326 : i32 to index
          %get3A_328 = arith.index_cast %mul3A_303 : i32 to index
          %get3A_329 = tpu.vector_load %arg12[%get3A_327, %get3A_328] {strides = array<i32>} : memref<6x3200xf32, #tpu.memory_space<vmem>>, vector<16xf32>,
          %sub3A_330 = arith.subf %get3A_325, %get3A_329 : vector<16xf32>
          %mul3A_331 = arith.mulf %sub3A_312, %sub3A_312 : vector<16xf32>
          %mul3A_332 = arith.mulf %sub3A_321, %sub3A_321 : vector<16xf32>
          %add3A_333 = arith.addf %mul3A_331, %mul3A_332 : vector<16xf32>
          %mul3A_334 = arith.mulf %sub3A_330, %sub3A_330 : vector<16xf32>
          %add3A_335 = arith.addf %add3A_333, %mul3A_334 : vector<16xf32>
          %bitcast_convert_type3A_336 = tpu.bitcast %add3A_335 : vector<16xf32> -> vector<16xi32>
          %shift_right_arithmetic3A_337 = arith.constant 1 : i32
          %shift_right_arithmetic3A_338 = vector.broadcast %shift_right_arithmetic3A_337 : i32 to vector<16xi32>
          %shift_right_arithmetic3A_339 = arith.shrsi %bitcast_convert_type3A_336, %shift_right_arithmetic3A_338 : vector<16xi32>
          %sub3A_340 = arith.constant 1597463007 : i32
          %sub3A_341 = vector.broadcast %sub3A_340 : i32 to vector<16xi32>
          %sub3A_342 = arith.subi %sub3A_341, %shift_right_arithmetic3A_339 : vector<16xi32>
          %bitcast_convert_type3A_343 = tpu.bitcast %sub3A_342 : vector<16xi32> -> vector<16xf32>
          %mul3A_344 = arith.constant 5.000000e-01 : f32
          %mul3A_345 = vector.broadcast %mul3A_344 : f32 to vector<16xf32>
          %mul3A_346 = arith.mulf %mul3A_345, %add3A_335 : vector<16xf32>
          %mul3A_347 = arith.mulf %mul3A_346, %bitcast_convert_type3A_343 : vector<16xf32>
          %mul3A_348 = arith.mulf %mul3A_347, %bitcast_convert_type3A_343 : vector<16xf32>
          %sub3A_349 = arith.constant 1.500000e+00 : f32
          %sub3A_350 = vector.broadcast %sub3A_349 : f32 to vector<16xf32>
          %sub3A_351 = arith.subf %sub3A_350, %mul3A_348 : vector<16xf32>
          %mul3A_352 = arith.mulf %bitcast_convert_type3A_343, %sub3A_351 : vector<16xf32>
          %mul3A_353 = arith.constant 5.000000e-01 : f32
          %mul3A_354 = vector.broadcast %mul3A_353 : f32 to vector<16xf32>
          %mul3A_355 = arith.mulf %mul3A_354, %add3A_335 : vector<16xf32>
          %mul3A_356 = arith.mulf %mul3A_355, %mul3A_352 : vector<16xf32>
          %mul3A_357 = arith.mulf %mul3A_356, %mul3A_352 : vector<16xf32>
          %sub3A_358 = arith.constant 1.500000e+00 : f32
          %sub3A_359 = vector.broadcast %sub3A_358 : f32 to vector<16xf32>
          %sub3A_360 = arith.subf %sub3A_359, %mul3A_357 : vector<16xf32>
          %mul3A_361 = arith.mulf %mul3A_352, %sub3A_360 : vector<16xf32>
          %shift_right_arithmetic3A_362 = arith.constant 3 : i32
          %shift_right_arithmetic3A_363 = arith.shrsi %add3A_301, %shift_right_arithmetic3A_362 : i32
          %mul3A_364 = arith.constant 512 : i32
          %mul3A_365 = arith.muli %shift_right_arithmetic3A_363, %mul3A_364 : i32
          %and3A_366 = arith.constant 7 : i32
          %and3A_367 = arith.andi %add3A_301, %and3A_366 : i32
          %mul3A_368 = arith.constant 16 : i32
          %mul3A_369 = arith.muli %and3A_367, %mul3A_368 : i32
          %add3A_370 = arith.addi %mul3A_365, %mul3A_369 : i32
          %add3A_371 = vector.broadcast %add3A_370 : i32 to vector<16xi32>
          %add3A_372 = arith.addi %add3A_371, %iota3A : vector<16xi32>
          %mul3A_373 = arith.mulf %add3A_335, %mul3A_361 : vector<16xf32>
          tpu.vector_store_idx %arg14[%add3A_372], %mul3A_373 : memref<12800xf32, #tpu.memory_space<vmem>>[vector<16xi32>], vector<16xf32>,
          %add3A_374 = arith.constant 128 : i32
          %add3A_375 = vector.broadcast %add3A_374 : i32 to vector<16xi32>
          %add3A_376 = arith.addi %add3A_372, %add3A_375 : vector<16xi32>
          %mul3A_377 = arith.mulf %sub3A_312, %mul3A_361 : vector<16xf32>
          tpu.vector_store_idx %arg14[%add3A_376], %mul3A_377 : memref<12800xf32, #tpu.memory_space<vmem>>[vector<16xi32>], vector<16xf32>,
          %add3A_378 = arith.constant 256 : i32
          %add3A_379 = vector.broadcast %add3A_378 : i32 to vector<16xi32>
          %add3A_380 = arith.addi %add3A_372, %add3A_379 : vector<16xi32>
          %mul3A_381 = arith.mulf %sub3A_321, %mul3A_361 : vector<16xf32>
          tpu.vector_store_idx %arg14[%add3A_380], %mul3A_381 : memref<12800xf32, #tpu.memory_space<vmem>>[vector<16xi32>], vector<16xf32>,
          %add3A_382 = arith.constant 384 : i32
          %add3A_383 = vector.broadcast %add3A_382 : i32 to vector<16xi32>
          %add3A_384 = arith.addi %add3A_372, %add3A_383 : vector<16xi32>
          %mul3A_385 = arith.mulf %sub3A_330, %mul3A_361 : vector<16xf32>
          tpu.vector_store_idx %arg14[%add3A_384], %mul3A_385 : memref<12800xf32, #tpu.memory_space<vmem>>[vector<16xi32>], vector<16xf32>,
        }
        %scan3A_206 = arith.constant 100 : i32
        %mul3A_207 = arith.constant 32 : i32
        %mul3A_208 = arith.muli %add3A_132, %mul3A_207 : i32
        %add3A_209 = arith.addi %add3A, %mul3A_208 : i32
        %mul3A_210 = arith.constant 4 : i32
        %mul3A_211 = arith.muli %mul3A_210, %add3A_209 : i32
        %mul3A_212 = arith.constant 3200 : i32
        %mul3A_213 = arith.muli %mul3A_211, %mul3A_212 : i32
        %dma_start3A_214 = tpu.memref_slice %arg6[%mul3A_213] : memref<25600000xf32, #tpu.memory_space<hbm>> -> memref<12800xf32, #tpu.memory_space<hbm>>
        %dma_start3A_215 = tpu.memref_slice %arg6[%mul3A_213] : memref<25600000xf32, #tpu.memory_space<hbm>> -> memref<12800xf32, #tpu.memory_space<hbm>>
        tpu.enqueue_dma source(%arg14 : memref<12800xf32, #tpu.memory_space<vmem>>) target(%dma_start3A_215 : memref<12800xf32, #tpu.memory_space<hbm>>) target_semaphore(%arg23 : memref<!tpu.dma_semaphore, #tpu.memory_space<semaphore_mem>>)
      } else {
      }
      %add3A_151 = arith.constant 2 : i32
      %add3A_152 = arith.addi %add3A_132, %add3A_151 : i32
      %mul3A_153 = arith.constant 32 : i32
      %mul3A_154 = arith.muli %add3A_152, %mul3A_153 : i32
      %add3A_155 = arith.addi %add3A, %mul3A_154 : i32
      %lt3A_156 = arith.constant 2000 : i32
      %lt3A_157 = arith.cmpi slt, %add3A_155, %lt3A_156 : i32
      %convert_element_type3A_158 = arith.extui %lt3A_157 : i1 to i32
      %cond3A_159 = arith.constant 0 : i32
      %cond3A_160 = arith.cmpi ne, %convert_element_type3A_158, %cond3A_159 : i32
      scf.if %cond3A_160 {
        %add3A_161 = arith.constant 2 : i32
        %add3A_162 = arith.addi %add3A_132, %add3A_161 : i32
        %mul3A_163 = arith.constant 32 : i32
        %mul3A_164 = arith.muli %add3A_162, %mul3A_163 : i32
        %add3A_165 = arith.addi %add3A, %mul3A_164 : i32
        %mul3A_166 = arith.constant 3200 : i32
        %mul3A_167 = arith.muli %add3A_165, %mul3A_166 : i32
        %dma_start3A_168 = tpu.memref_slice %arg2[%mul3A_167] : memref<12800000xi32, #tpu.memory_space<hbm>> -> memref<3200xi32, #tpu.memory_space<hbm>>
        %dma_start3A_169 = tpu.memref_slice %arg2[%mul3A_167] : memref<12800000xi32, #tpu.memory_space<hbm>> -> memref<3200xi32, #tpu.memory_space<hbm>>
        tpu.enqueue_dma source(%dma_start3A_169 : memref<3200xi32, #tpu.memory_space<hbm>>) target(%arg8 : memref<3200xi32, #tpu.memory_space<vmem>>) target_semaphore(%arg19 : memref<!tpu.dma_semaphore, #tpu.memory_space<semaphore_mem>>)
        %add3A_170 = arith.constant 6400000 : i32
        %add3A_171 = arith.addi %add3A_170, %mul3A_167 : i32
        %dma_start3A_172 = tpu.memref_slice %arg2[%add3A_171] : memref<12800000xi32, #tpu.memory_space<hbm>> -> memref<3200xi32, #tpu.memory_space<hbm>>
        %dma_start3A_173 = tpu.memref_slice %arg2[%add3A_171] : memref<12800000xi32, #tpu.memory_space<hbm>> -> memref<3200xi32, #tpu.memory_space<hbm>>
        tpu.enqueue_dma source(%dma_start3A_173 : memref<3200xi32, #tpu.memory_space<hbm>>) target(%arg10 : memref<3200xi32, #tpu.memory_space<vmem>>) target_semaphore(%arg19 : memref<!tpu.dma_semaphore, #tpu.memory_space<semaphore_mem>>)
      } else {
      }
    }
    %scan3A_69 = arith.constant 31 : i32
    %add3A_70 = arith.constant 2016 : i32
    %add3A_71 = arith.addi %add3A, %add3A_70 : i32
    %lt3A = arith.constant 2000 : i32
    %lt3A_72 = arith.cmpi slt, %add3A_71, %lt3A : i32
    %convert_element_type3A_73 = arith.extui %lt3A_72 : i1 to i32
    %cond3A_74 = arith.constant 0 : i32
    %cond3A_75 = arith.cmpi ne, %convert_element_type3A_73, %cond3A_74 : i32
    scf.if %cond3A_75 {
      %dma_wait3A_98 = arith.constant 0 : i32
      %dma_wait3A_99 = tpu.memref_slice %arg2[%dma_wait3A_98] : memref<12800000xi32, #tpu.memory_space<hbm>> -> memref<3200xi32, #tpu.memory_space<hbm>>
      %dma_wait3A_100 = arith.constant 0 : i32
      %dma_wait3A_101 = tpu.memref_slice %arg2[%dma_wait3A_100] : memref<12800000xi32, #tpu.memory_space<hbm>> -> memref<3200xi32, #tpu.memory_space<hbm>>
      tpu.wait_dma2 semaphore(%arg19 : memref<!tpu.dma_semaphore, #tpu.memory_space<semaphore_mem>>) src(%dma_wait3A_101 : memref<3200xi32, #tpu.memory_space<hbm>>) dst(%arg8 : memref<3200xi32, #tpu.memory_space<vmem>>)
      %dma_wait3A_102 = arith.constant 0 : i32
      %dma_wait3A_103 = tpu.memref_slice %arg2[%dma_wait3A_102] : memref<12800000xi32, #tpu.memory_space<hbm>> -> memref<3200xi32, #tpu.memory_space<hbm>>
      %dma_wait3A_104 = arith.constant 0 : i32
      %dma_wait3A_105 = tpu.memref_slice %arg2[%dma_wait3A_104] : memref<12800000xi32, #tpu.memory_space<hbm>> -> memref<3200xi32, #tpu.memory_space<hbm>>
      tpu.wait_dma2 semaphore(%arg19 : memref<!tpu.dma_semaphore, #tpu.memory_space<semaphore_mem>>) src(%dma_wait3A_105 : memref<3200xi32, #tpu.memory_space<hbm>>) dst(%arg10 : memref<3200xi32, #tpu.memory_space<vmem>>)
      %dma_start3A_106 = arith.constant 0 : i32
      %dma_start3A_107 = arith.constant 0 : i32
      %dma_start3A_108 = tpu.memref_slice %arg12[%dma_start3A_106, %dma_start3A_107] : memref<6x3200xf32, #tpu.memory_space<vmem>> -> memref<1x3200xf32, #tpu.memory_space<vmem>>
      %dma_start3A_109 = tpu.memref_squeeze %dma_start3A_108 : memref<1x3200xf32, #tpu.memory_space<vmem>> -> memref<3200xf32, #tpu.memory_space<vmem>>
      %dma_start3A_110 = arith.constant 0 : i32
      %dma_start3A_111 = tpu.memref_slice %arg15[%dma_start3A_110] : memref<100000xf32, #tpu.memory_space<vmem_shared>> -> memref<100000xf32, #tpu.memory_space<vmem_shared>>
      tpu.enqueue_indirect_dma source(%dma_start3A_111 : memref<100000xf32, #tpu.memory_space<vmem_shared>>) target(%dma_start3A_109 : memref<3200xf32, #tpu.memory_space<vmem>>) offsets(%arg8 : memref<3200xi32, #tpu.memory_space<vmem>>) semaphore(%arg21 : memref<!tpu.dma_semaphore, #tpu.memory_space<semaphore_mem>>)
      %dma_start3A_112 = arith.constant 1 : i32
      %dma_start3A_113 = arith.constant 0 : i32
      %dma_start3A_114 = tpu.memref_slice %arg12[%dma_start3A_112, %dma_start3A_113] : memref<6x3200xf32, #tpu.memory_space<vmem>> -> memref<1x3200xf32, #tpu.memory_space<vmem>>
      %dma_start3A_115 = tpu.memref_squeeze %dma_start3A_114 : memref<1x3200xf32, #tpu.memory_space<vmem>> -> memref<3200xf32, #tpu.memory_space<vmem>>
      %dma_start3A_116 = arith.constant 0 : i32
      %dma_start3A_117 = tpu.memref_slice %arg16[%dma_start3A_116] : memref<100000xf32, #tpu.memory_space<vmem_shared>> -> memref<100000xf32, #tpu.memory_space<vmem_shared>>
      tpu.enqueue_indirect_dma source(%dma_start3A_117 : memref<100000xf32, #tpu.memory_space<vmem_shared>>) target(%dma_start3A_115 : memref<3200xf32, #tpu.memory_space<vmem>>) offsets(%arg8 : memref<3200xi32, #tpu.memory_space<vmem>>) semaphore(%arg21 : memref<!tpu.dma_semaphore, #tpu.memory_space<semaphore_mem>>)
      %dma_start3A_118 = arith.constant 2 : i32
      %dma_start3A_119 = arith.constant 0 : i32
      %dma_start3A_120 = tpu.memref_slice %arg12[%dma_start3A_118, %dma_start3A_119] : memref<6x3200xf32, #tpu.memory_space<vmem>> -> memref<1x3200xf32, #tpu.memory_space<vmem>>
      %dma_start3A_121 = tpu.memref_squeeze %dma_start3A_120 : memref<1x3200xf32, #tpu.memory_space<vmem>> -> memref<3200xf32, #tpu.memory_space<vmem>>
      %dma_start3A_122 = arith.constant 0 : i32
      %dma_start3A_123 = tpu.memref_slice %arg17[%dma_start3A_122] : memref<100000xf32, #tpu.memory_space<vmem_shared>> -> memref<100000xf32, #tpu.memory_space<vmem_shared>>
      tpu.enqueue_indirect_dma source(%dma_start3A_123 : memref<100000xf32, #tpu.memory_space<vmem_shared>>) target(%dma_start3A_121 : memref<3200xf32, #tpu.memory_space<vmem>>) offsets(%arg8 : memref<3200xi32, #tpu.memory_space<vmem>>) semaphore(%arg21 : memref<!tpu.dma_semaphore, #tpu.memory_space<semaphore_mem>>)
      %dma_start3A_124 = arith.constant 3 : i32
      %dma_start3A_125 = arith.constant 0 : i32
      %dma_start3A_126 = tpu.memref_slice %arg12[%dma_start3A_124, %dma_start3A_125] : memref<6x3200xf32, #tpu.memory_space<vmem>> -> memref<1x3200xf32, #tpu.memory_space<vmem>>
      %dma_start3A_127 = tpu.memref_squeeze %dma_start3A_126 : memref<1x3200xf32, #tpu.memory_space<vmem>> -> memref<3200xf32, #tpu.memory_space<vmem>>
      %dma_start3A_128 = arith.constant 0 : i32
      %dma_start3A_129 = tpu.memref_slice %arg15[%dma_start3A_128] : memref<100000xf32, #tpu.memory_space<vmem_shared>> -> memref<100000xf32, #tpu.memory_space<vmem_shared>>
      tpu.enqueue_indirect_dma source(%dma_start3A_129 : memref<100000xf32, #tpu.memory_space<vmem_shared>>) target(%dma_start3A_127 : memref<3200xf32, #tpu.memory_space<vmem>>) offsets(%arg10 : memref<3200xi32, #tpu.memory_space<vmem>>) semaphore(%arg21 : memref<!tpu.dma_semaphore, #tpu.memory_space<semaphore_mem>>)
      %dma_start3A_130 = arith.constant 4 : i32
      %dma_start3A_131 = arith.constant 0 : i32
      %dma_start3A_132 = tpu.memref_slice %arg12[%dma_start3A_130, %dma_start3A_131] : memref<6x3200xf32, #tpu.memory_space<vmem>> -> memref<1x3200xf32, #tpu.memory_space<vmem>>
      %dma_start3A_133 = tpu.memref_squeeze %dma_start3A_132 : memref<1x3200xf32, #tpu.memory_space<vmem>> -> memref<3200xf32, #tpu.memory_space<vmem>>
      %dma_start3A_134 = arith.constant 0 : i32
      %dma_start3A_135 = tpu.memref_slice %arg16[%dma_start3A_134] : memref<100000xf32, #tpu.memory_space<vmem_shared>> -> memref<100000xf32, #tpu.memory_space<vmem_shared>>
      tpu.enqueue_indirect_dma source(%dma_start3A_135 : memref<100000xf32, #tpu.memory_space<vmem_shared>>) target(%dma_start3A_133 : memref<3200xf32, #tpu.memory_space<vmem>>) offsets(%arg10 : memref<3200xi32, #tpu.memory_space<vmem>>) semaphore(%arg21 : memref<!tpu.dma_semaphore, #tpu.memory_space<semaphore_mem>>)
      %dma_start3A_136 = arith.constant 5 : i32
      %dma_start3A_137 = arith.constant 0 : i32
      %dma_start3A_138 = tpu.memref_slice %arg12[%dma_start3A_136, %dma_start3A_137] : memref<6x3200xf32, #tpu.memory_space<vmem>> -> memref<1x3200xf32, #tpu.memory_space<vmem>>
      %dma_start3A_139 = tpu.memref_squeeze %dma_start3A_138 : memref<1x3200xf32, #tpu.memory_space<vmem>> -> memref<3200xf32, #tpu.memory_space<vmem>>
      %dma_start3A_140 = arith.constant 0 : i32
      %dma_start3A_141 = tpu.memref_slice %arg17[%dma_start3A_140] : memref<100000xf32, #tpu.memory_space<vmem_shared>> -> memref<100000xf32, #tpu.memory_space<vmem_shared>>
      tpu.enqueue_indirect_dma source(%dma_start3A_141 : memref<100000xf32, #tpu.memory_space<vmem_shared>>) target(%dma_start3A_139 : memref<3200xf32, #tpu.memory_space<vmem>>) offsets(%arg10 : memref<3200xi32, #tpu.memory_space<vmem>>) semaphore(%arg21 : memref<!tpu.dma_semaphore, #tpu.memory_space<semaphore_mem>>)
    } else {
    }
    %add3A_76 = arith.constant 1984 : i32
    %add3A_77 = arith.addi %add3A, %add3A_76 : i32
    %lt3A_78 = arith.constant 2000 : i32
    %lt3A_79 = arith.cmpi slt, %add3A_77, %lt3A_78 : i32
    %convert_element_type3A_80 = arith.extui %lt3A_79 : i1 to i32
    %cond3A_81 = arith.constant 0 : i32
    %cond3A_82 = arith.cmpi ne, %convert_element_type3A_80, %cond3A_81 : i32
    scf.if %cond3A_82 {
      %dma_wait3A_98 = arith.constant 0 : i32
      %dma_wait3A_99 = arith.constant 0 : i32
      %dma_wait3A_100 = tpu.memref_slice %arg11[%dma_wait3A_98, %dma_wait3A_99] : memref<6x3200xf32, #tpu.memory_space<vmem>> -> memref<1x3200xf32, #tpu.memory_space<vmem>>
      %dma_wait3A_101 = tpu.memref_squeeze %dma_wait3A_100 : memref<1x3200xf32, #tpu.memory_space<vmem>> -> memref<3200xf32, #tpu.memory_space<vmem>>
      %dma_wait3A_102 = arith.constant 0 : i32
      %dma_wait3A_103 = tpu.memref_slice %arg15[%dma_wait3A_102] : memref<100000xf32, #tpu.memory_space<vmem_shared>> -> memref<100000xf32, #tpu.memory_space<vmem_shared>>
      tpu.wait_indirect_dma semaphore(%arg20 : memref<!tpu.dma_semaphore, #tpu.memory_space<semaphore_mem>>) src(%dma_wait3A_103 : memref<100000xf32, #tpu.memory_space<vmem_shared>>) dst(%dma_wait3A_101 : memref<3200xf32, #tpu.memory_space<vmem>>)
      %dma_wait3A_104 = arith.constant 1 : i32
      %dma_wait3A_105 = arith.constant 0 : i32
      %dma_wait3A_106 = tpu.memref_slice %arg11[%dma_wait3A_104, %dma_wait3A_105] : memref<6x3200xf32, #tpu.memory_space<vmem>> -> memref<1x3200xf32, #tpu.memory_space<vmem>>
      %dma_wait3A_107 = tpu.memref_squeeze %dma_wait3A_106 : memref<1x3200xf32, #tpu.memory_space<vmem>> -> memref<3200xf32, #tpu.memory_space<vmem>>
      %dma_wait3A_108 = arith.constant 0 : i32
      %dma_wait3A_109 = tpu.memref_slice %arg15[%dma_wait3A_108] : memref<100000xf32, #tpu.memory_space<vmem_shared>> -> memref<100000xf32, #tpu.memory_space<vmem_shared>>
      tpu.wait_indirect_dma semaphore(%arg20 : memref<!tpu.dma_semaphore, #tpu.memory_space<semaphore_mem>>) src(%dma_wait3A_109 : memref<100000xf32, #tpu.memory_space<vmem_shared>>) dst(%dma_wait3A_107 : memref<3200xf32, #tpu.memory_space<vmem>>)
      %dma_wait3A_110 = arith.constant 2 : i32
      %dma_wait3A_111 = arith.constant 0 : i32
      %dma_wait3A_112 = tpu.memref_slice %arg11[%dma_wait3A_110, %dma_wait3A_111] : memref<6x3200xf32, #tpu.memory_space<vmem>> -> memref<1x3200xf32, #tpu.memory_space<vmem>>
      %dma_wait3A_113 = tpu.memref_squeeze %dma_wait3A_112 : memref<1x3200xf32, #tpu.memory_space<vmem>> -> memref<3200xf32, #tpu.memory_space<vmem>>
      %dma_wait3A_114 = arith.constant 0 : i32
      %dma_wait3A_115 = tpu.memref_slice %arg15[%dma_wait3A_114] : memref<100000xf32, #tpu.memory_space<vmem_shared>> -> memref<100000xf32, #tpu.memory_space<vmem_shared>>
      tpu.wait_indirect_dma semaphore(%arg20 : memref<!tpu.dma_semaphore, #tpu.memory_space<semaphore_mem>>) src(%dma_wait3A_115 : memref<100000xf32, #tpu.memory_space<vmem_shared>>) dst(%dma_wait3A_113 : memref<3200xf32, #tpu.memory_space<vmem>>)
      %dma_wait3A_116 = arith.constant 3 : i32
      %dma_wait3A_117 = arith.constant 0 : i32
      %dma_wait3A_118 = tpu.memref_slice %arg11[%dma_wait3A_116, %dma_wait3A_117] : memref<6x3200xf32, #tpu.memory_space<vmem>> -> memref<1x3200xf32, #tpu.memory_space<vmem>>
      %dma_wait3A_119 = tpu.memref_squeeze %dma_wait3A_118 : memref<1x3200xf32, #tpu.memory_space<vmem>> -> memref<3200xf32, #tpu.memory_space<vmem>>
      %dma_wait3A_120 = arith.constant 0 : i32
      %dma_wait3A_121 = tpu.memref_slice %arg15[%dma_wait3A_120] : memref<100000xf32, #tpu.memory_space<vmem_shared>> -> memref<100000xf32, #tpu.memory_space<vmem_shared>>
      tpu.wait_indirect_dma semaphore(%arg20 : memref<!tpu.dma_semaphore, #tpu.memory_space<semaphore_mem>>) src(%dma_wait3A_121 : memref<100000xf32, #tpu.memory_space<vmem_shared>>) dst(%dma_wait3A_119 : memref<3200xf32, #tpu.memory_space<vmem>>)
      %dma_wait3A_122 = arith.constant 4 : i32
      %dma_wait3A_123 = arith.constant 0 : i32
      %dma_wait3A_124 = tpu.memref_slice %arg11[%dma_wait3A_122, %dma_wait3A_123] : memref<6x3200xf32, #tpu.memory_space<vmem>> -> memref<1x3200xf32, #tpu.memory_space<vmem>>
      %dma_wait3A_125 = tpu.memref_squeeze %dma_wait3A_124 : memref<1x3200xf32, #tpu.memory_space<vmem>> -> memref<3200xf32, #tpu.memory_space<vmem>>
      %dma_wait3A_126 = arith.constant 0 : i32
      %dma_wait3A_127 = tpu.memref_slice %arg15[%dma_wait3A_126] : memref<100000xf32, #tpu.memory_space<vmem_shared>> -> memref<100000xf32, #tpu.memory_space<vmem_shared>>
      tpu.wait_indirect_dma semaphore(%arg20 : memref<!tpu.dma_semaphore, #tpu.memory_space<semaphore_mem>>) src(%dma_wait3A_127 : memref<100000xf32, #tpu.memory_space<vmem_shared>>) dst(%dma_wait3A_125 : memref<3200xf32, #tpu.memory_space<vmem>>)
      %dma_wait3A_128 = arith.constant 5 : i32
      %dma_wait3A_129 = arith.constant 0 : i32
      %dma_wait3A_130 = tpu.memref_slice %arg11[%dma_wait3A_128, %dma_wait3A_129] : memref<6x3200xf32, #tpu.memory_space<vmem>> -> memref<1x3200xf32, #tpu.memory_space<vmem>>
      %dma_wait3A_131 = tpu.memref_squeeze %dma_wait3A_130 : memref<1x3200xf32, #tpu.memory_space<vmem>> -> memref<3200xf32, #tpu.memory_space<vmem>>
      %dma_wait3A_132 = arith.constant 0 : i32
      %dma_wait3A_133 = tpu.memref_slice %arg15[%dma_wait3A_132] : memref<100000xf32, #tpu.memory_space<vmem_shared>> -> memref<100000xf32, #tpu.memory_space<vmem_shared>>
      tpu.wait_indirect_dma semaphore(%arg20 : memref<!tpu.dma_semaphore, #tpu.memory_space<semaphore_mem>>) src(%dma_wait3A_133 : memref<100000xf32, #tpu.memory_space<vmem_shared>>) dst(%dma_wait3A_131 : memref<3200xf32, #tpu.memory_space<vmem>>)
      %dma_wait3A_134 = arith.constant 0 : i32
      %dma_wait3A_135 = tpu.memref_slice %arg6[%dma_wait3A_134] : memref<25600000xf32, #tpu.memory_space<hbm>> -> memref<12800xf32, #tpu.memory_space<hbm>>
      %dma_wait3A_136 = arith.constant 0 : i32
      %dma_wait3A_137 = tpu.memref_slice %arg6[%dma_wait3A_136] : memref<25600000xf32, #tpu.memory_space<hbm>> -> memref<12800xf32, #tpu.memory_space<hbm>>
      tpu.wait_dma2 semaphore(%arg22 : memref<!tpu.dma_semaphore, #tpu.memory_space<semaphore_mem>>) src(%arg13 : memref<12800xf32, #tpu.memory_space<vmem>>) dst(%dma_wait3A_137 : memref<12800xf32, #tpu.memory_space<hbm>>)
      %scan3A_138 = arith.constant 0 : i32
      %scan3A_139 = arith.constant 0 : i32
      %scan3A_140 = arith.constant 100 : i32
      %scan3A_141 = arith.addi %scan3A_139, %scan3A_140 : i32
      %scan3A_142 = arith.constant 1 : i32
      scf.for %scan3A_152 = %scan3A_139 to %scan3A_141 step %scan3A_142  : i32 {
        %mul3A_153 = arith.constant 2 : i32
        %mul3A_154 = arith.muli %mul3A_153, %scan3A_152 : i32
        %mul3A_155 = arith.constant 16 : i32
        %mul3A_156 = arith.muli %mul3A_154, %mul3A_155 : i32
        %get3A = arith.constant 0 : i32
        %get3A_157 = arith.index_cast %get3A : i32 to index
        %get3A_158 = arith.index_cast %mul3A_156 : i32 to index
        %get3A_159 = tpu.vector_load %arg11[%get3A_157, %get3A_158] {strides = array<i32>} : memref<6x3200xf32, #tpu.memory_space<vmem>>, vector<16xf32>,
        %get3A_160 = arith.constant 3 : i32
        %get3A_161 = arith.index_cast %get3A_160 : i32 to index
        %get3A_162 = arith.index_cast %mul3A_156 : i32 to index
        %get3A_163 = tpu.vector_load %arg11[%get3A_161, %get3A_162] {strides = array<i32>} : memref<6x3200xf32, #tpu.memory_space<vmem>>, vector<16xf32>,
        %sub3A = arith.subf %get3A_159, %get3A_163 : vector<16xf32>
        %get3A_164 = arith.constant 1 : i32
        %get3A_165 = arith.index_cast %get3A_164 : i32 to index
        %get3A_166 = arith.index_cast %mul3A_156 : i32 to index
        %get3A_167 = tpu.vector_load %arg11[%get3A_165, %get3A_166] {strides = array<i32>} : memref<6x3200xf32, #tpu.memory_space<vmem>>, vector<16xf32>,
        %get3A_168 = arith.constant 4 : i32
        %get3A_169 = arith.index_cast %get3A_168 : i32 to index
        %get3A_170 = arith.index_cast %mul3A_156 : i32 to index
        %get3A_171 = tpu.vector_load %arg11[%get3A_169, %get3A_170] {strides = array<i32>} : memref<6x3200xf32, #tpu.memory_space<vmem>>, vector<16xf32>,
        %sub3A_172 = arith.subf %get3A_167, %get3A_171 : vector<16xf32>
        %get3A_173 = arith.constant 2 : i32
        %get3A_174 = arith.index_cast %get3A_173 : i32 to index
        %get3A_175 = arith.index_cast %mul3A_156 : i32 to index
        %get3A_176 = tpu.vector_load %arg11[%get3A_174, %get3A_175] {strides = array<i32>} : memref<6x3200xf32, #tpu.memory_space<vmem>>, vector<16xf32>,
        %get3A_177 = arith.constant 5 : i32
        %get3A_178 = arith.index_cast %get3A_177 : i32 to index
        %get3A_179 = arith.index_cast %mul3A_156 : i32 to index
        %get3A_180 = tpu.vector_load %arg11[%get3A_178, %get3A_179] {strides = array<i32>} : memref<6x3200xf32, #tpu.memory_space<vmem>>, vector<16xf32>,
        %sub3A_181 = arith.subf %get3A_176, %get3A_180 : vector<16xf32>
        %mul3A_182 = arith.mulf %sub3A, %sub3A : vector<16xf32>
        %mul3A_183 = arith.mulf %sub3A_172, %sub3A_172 : vector<16xf32>
        %add3A_184 = arith.addf %mul3A_182, %mul3A_183 : vector<16xf32>
        %mul3A_185 = arith.mulf %sub3A_181, %sub3A_181 : vector<16xf32>
        %add3A_186 = arith.addf %add3A_184, %mul3A_185 : vector<16xf32>
        %bitcast_convert_type3A = tpu.bitcast %add3A_186 : vector<16xf32> -> vector<16xi32>
        %shift_right_arithmetic3A = arith.constant 1 : i32
        %shift_right_arithmetic3A_187 = vector.broadcast %shift_right_arithmetic3A : i32 to vector<16xi32>
        %shift_right_arithmetic3A_188 = arith.shrsi %bitcast_convert_type3A, %shift_right_arithmetic3A_187 : vector<16xi32>
        %sub3A_189 = arith.constant 1597463007 : i32
        %sub3A_190 = vector.broadcast %sub3A_189 : i32 to vector<16xi32>
        %sub3A_191 = arith.subi %sub3A_190, %shift_right_arithmetic3A_188 : vector<16xi32>
        %bitcast_convert_type3A_192 = tpu.bitcast %sub3A_191 : vector<16xi32> -> vector<16xf32>
        %mul3A_193 = arith.constant 5.000000e-01 : f32
        %mul3A_194 = vector.broadcast %mul3A_193 : f32 to vector<16xf32>
        %mul3A_195 = arith.mulf %mul3A_194, %add3A_186 : vector<16xf32>
        %mul3A_196 = arith.mulf %mul3A_195, %bitcast_convert_type3A_192 : vector<16xf32>
        %mul3A_197 = arith.mulf %mul3A_196, %bitcast_convert_type3A_192 : vector<16xf32>
        %sub3A_198 = arith.constant 1.500000e+00 : f32
        %sub3A_199 = vector.broadcast %sub3A_198 : f32 to vector<16xf32>
        %sub3A_200 = arith.subf %sub3A_199, %mul3A_197 : vector<16xf32>
        %mul3A_201 = arith.mulf %bitcast_convert_type3A_192, %sub3A_200 : vector<16xf32>
        %mul3A_202 = arith.constant 5.000000e-01 : f32
        %mul3A_203 = vector.broadcast %mul3A_202 : f32 to vector<16xf32>
        %mul3A_204 = arith.mulf %mul3A_203, %add3A_186 : vector<16xf32>
        %mul3A_205 = arith.mulf %mul3A_204, %mul3A_201 : vector<16xf32>
        %mul3A_206 = arith.mulf %mul3A_205, %mul3A_201 : vector<16xf32>
        %sub3A_207 = arith.constant 1.500000e+00 : f32
        %sub3A_208 = vector.broadcast %sub3A_207 : f32 to vector<16xf32>
        %sub3A_209 = arith.subf %sub3A_208, %mul3A_206 : vector<16xf32>
        %mul3A_210 = arith.mulf %mul3A_201, %sub3A_209 : vector<16xf32>
        %shift_right_arithmetic3A_211 = arith.constant 3 : i32
        %shift_right_arithmetic3A_212 = arith.shrsi %mul3A_154, %shift_right_arithmetic3A_211 : i32
        %mul3A_213 = arith.constant 512 : i32
        %mul3A_214 = arith.muli %shift_right_arithmetic3A_212, %mul3A_213 : i32
        %and3A = arith.constant 7 : i32
        %and3A_215 = arith.andi %mul3A_154, %and3A : i32
        %mul3A_216 = arith.constant 16 : i32
        %mul3A_217 = arith.muli %and3A_215, %mul3A_216 : i32
        %add3A_218 = arith.addi %mul3A_214, %mul3A_217 : i32
        %add3A_219 = vector.broadcast %add3A_218 : i32 to vector<16xi32>
        %add3A_220 = arith.addi %add3A_219, %iota3A : vector<16xi32>
        %mul3A_221 = arith.mulf %add3A_186, %mul3A_210 : vector<16xf32>
        tpu.vector_store_idx %arg13[%add3A_220], %mul3A_221 : memref<12800xf32, #tpu.memory_space<vmem>>[vector<16xi32>], vector<16xf32>,
        %add3A_222 = arith.constant 128 : i32
        %add3A_223 = vector.broadcast %add3A_222 : i32 to vector<16xi32>
        %add3A_224 = arith.addi %add3A_220, %add3A_223 : vector<16xi32>
        %mul3A_225 = arith.mulf %sub3A, %mul3A_210 : vector<16xf32>
        tpu.vector_store_idx %arg13[%add3A_224], %mul3A_225 : memref<12800xf32, #tpu.memory_space<vmem>>[vector<16xi32>], vector<16xf32>,
        %add3A_226 = arith.constant 256 : i32
        %add3A_227 = vector.broadcast %add3A_226 : i32 to vector<16xi32>
        %add3A_228 = arith.addi %add3A_220, %add3A_227 : vector<16xi32>
        %mul3A_229 = arith.mulf %sub3A_172, %mul3A_210 : vector<16xf32>
        tpu.vector_store_idx %arg13[%add3A_228], %mul3A_229 : memref<12800xf32, #tpu.memory_space<vmem>>[vector<16xi32>], vector<16xf32>,
        %add3A_230 = arith.constant 384 : i32
        %add3A_231 = vector.broadcast %add3A_230 : i32 to vector<16xi32>
        %add3A_232 = arith.addi %add3A_220, %add3A_231 : vector<16xi32>
        %mul3A_233 = arith.mulf %sub3A_181, %mul3A_210 : vector<16xf32>
        tpu.vector_store_idx %arg13[%add3A_232], %mul3A_233 : memref<12800xf32, #tpu.memory_space<vmem>>[vector<16xi32>], vector<16xf32>,
        %mul3A_234 = arith.constant 2 : i32
        %mul3A_235 = arith.muli %mul3A_234, %scan3A_152 : i32
        %add3A_236 = arith.constant 1 : i32
        %add3A_237 = arith.addi %mul3A_235, %add3A_236 : i32
        %mul3A_238 = arith.constant 16 : i32
        %mul3A_239 = arith.muli %add3A_237, %mul3A_238 : i32
        %get3A_240 = arith.constant 0 : i32
        %get3A_241 = arith.index_cast %get3A_240 : i32 to index
        %get3A_242 = arith.index_cast %mul3A_239 : i32 to index
        %get3A_243 = tpu.vector_load %arg11[%get3A_241, %get3A_242] {strides = array<i32>} : memref<6x3200xf32, #tpu.memory_space<vmem>>, vector<16xf32>,
        %get3A_244 = arith.constant 3 : i32
        %get3A_245 = arith.index_cast %get3A_244 : i32 to index
        %get3A_246 = arith.index_cast %mul3A_239 : i32 to index
        %get3A_247 = tpu.vector_load %arg11[%get3A_245, %get3A_246] {strides = array<i32>} : memref<6x3200xf32, #tpu.memory_space<vmem>>, vector<16xf32>,
        %sub3A_248 = arith.subf %get3A_243, %get3A_247 : vector<16xf32>
        %get3A_249 = arith.constant 1 : i32
        %get3A_250 = arith.index_cast %get3A_249 : i32 to index
        %get3A_251 = arith.index_cast %mul3A_239 : i32 to index
        %get3A_252 = tpu.vector_load %arg11[%get3A_250, %get3A_251] {strides = array<i32>} : memref<6x3200xf32, #tpu.memory_space<vmem>>, vector<16xf32>,
        %get3A_253 = arith.constant 4 : i32
        %get3A_254 = arith.index_cast %get3A_253 : i32 to index
        %get3A_255 = arith.index_cast %mul3A_239 : i32 to index
        %get3A_256 = tpu.vector_load %arg11[%get3A_254, %get3A_255] {strides = array<i32>} : memref<6x3200xf32, #tpu.memory_space<vmem>>, vector<16xf32>,
        %sub3A_257 = arith.subf %get3A_252, %get3A_256 : vector<16xf32>
        %get3A_258 = arith.constant 2 : i32
        %get3A_259 = arith.index_cast %get3A_258 : i32 to index
        %get3A_260 = arith.index_cast %mul3A_239 : i32 to index
        %get3A_261 = tpu.vector_load %arg11[%get3A_259, %get3A_260] {strides = array<i32>} : memref<6x3200xf32, #tpu.memory_space<vmem>>, vector<16xf32>,
        %get3A_262 = arith.constant 5 : i32
        %get3A_263 = arith.index_cast %get3A_262 : i32 to index
        %get3A_264 = arith.index_cast %mul3A_239 : i32 to index
        %get3A_265 = tpu.vector_load %arg11[%get3A_263, %get3A_264] {strides = array<i32>} : memref<6x3200xf32, #tpu.memory_space<vmem>>, vector<16xf32>,
        %sub3A_266 = arith.subf %get3A_261, %get3A_265 : vector<16xf32>
        %mul3A_267 = arith.mulf %sub3A_248, %sub3A_248 : vector<16xf32>
        %mul3A_268 = arith.mulf %sub3A_257, %sub3A_257 : vector<16xf32>
        %add3A_269 = arith.addf %mul3A_267, %mul3A_268 : vector<16xf32>
        %mul3A_270 = arith.mulf %sub3A_266, %sub3A_266 : vector<16xf32>
        %add3A_271 = arith.addf %add3A_269, %mul3A_270 : vector<16xf32>
        %bitcast_convert_type3A_272 = tpu.bitcast %add3A_271 : vector<16xf32> -> vector<16xi32>
        %shift_right_arithmetic3A_273 = arith.constant 1 : i32
        %shift_right_arithmetic3A_274 = vector.broadcast %shift_right_arithmetic3A_273 : i32 to vector<16xi32>
        %shift_right_arithmetic3A_275 = arith.shrsi %bitcast_convert_type3A_272, %shift_right_arithmetic3A_274 : vector<16xi32>
        %sub3A_276 = arith.constant 1597463007 : i32
        %sub3A_277 = vector.broadcast %sub3A_276 : i32 to vector<16xi32>
        %sub3A_278 = arith.subi %sub3A_277, %shift_right_arithmetic3A_275 : vector<16xi32>
        %bitcast_convert_type3A_279 = tpu.bitcast %sub3A_278 : vector<16xi32> -> vector<16xf32>
        %mul3A_280 = arith.constant 5.000000e-01 : f32
        %mul3A_281 = vector.broadcast %mul3A_280 : f32 to vector<16xf32>
        %mul3A_282 = arith.mulf %mul3A_281, %add3A_271 : vector<16xf32>
        %mul3A_283 = arith.mulf %mul3A_282, %bitcast_convert_type3A_279 : vector<16xf32>
        %mul3A_284 = arith.mulf %mul3A_283, %bitcast_convert_type3A_279 : vector<16xf32>
        %sub3A_285 = arith.constant 1.500000e+00 : f32
        %sub3A_286 = vector.broadcast %sub3A_285 : f32 to vector<16xf32>
        %sub3A_287 = arith.subf %sub3A_286, %mul3A_284 : vector<16xf32>
        %mul3A_288 = arith.mulf %bitcast_convert_type3A_279, %sub3A_287 : vector<16xf32>
        %mul3A_289 = arith.constant 5.000000e-01 : f32
        %mul3A_290 = vector.broadcast %mul3A_289 : f32 to vector<16xf32>
        %mul3A_291 = arith.mulf %mul3A_290, %add3A_271 : vector<16xf32>
        %mul3A_292 = arith.mulf %mul3A_291, %mul3A_288 : vector<16xf32>
        %mul3A_293 = arith.mulf %mul3A_292, %mul3A_288 : vector<16xf32>
        %sub3A_294 = arith.constant 1.500000e+00 : f32
        %sub3A_295 = vector.broadcast %sub3A_294 : f32 to vector<16xf32>
        %sub3A_296 = arith.subf %sub3A_295, %mul3A_293 : vector<16xf32>
        %mul3A_297 = arith.mulf %mul3A_288, %sub3A_296 : vector<16xf32>
        %shift_right_arithmetic3A_298 = arith.constant 3 : i32
        %shift_right_arithmetic3A_299 = arith.shrsi %add3A_237, %shift_right_arithmetic3A_298 : i32
        %mul3A_300 = arith.constant 512 : i32
        %mul3A_301 = arith.muli %shift_right_arithmetic3A_299, %mul3A_300 : i32
        %and3A_302 = arith.constant 7 : i32
        %and3A_303 = arith.andi %add3A_237, %and3A_302 : i32
        %mul3A_304 = arith.constant 16 : i32
        %mul3A_305 = arith.muli %and3A_303, %mul3A_304 : i32
        %add3A_306 = arith.addi %mul3A_301, %mul3A_305 : i32
        %add3A_307 = vector.broadcast %add3A_306 : i32 to vector<16xi32>
        %add3A_308 = arith.addi %add3A_307, %iota3A : vector<16xi32>
        %mul3A_309 = arith.mulf %add3A_271, %mul3A_297 : vector<16xf32>
        tpu.vector_store_idx %arg13[%add3A_308], %mul3A_309 : memref<12800xf32, #tpu.memory_space<vmem>>[vector<16xi32>], vector<16xf32>,
        %add3A_310 = arith.constant 128 : i32
        %add3A_311 = vector.broadcast %add3A_310 : i32 to vector<16xi32>
        %add3A_312 = arith.addi %add3A_308, %add3A_311 : vector<16xi32>
        %mul3A_313 = arith.mulf %sub3A_248, %mul3A_297 : vector<16xf32>
        tpu.vector_store_idx %arg13[%add3A_312], %mul3A_313 : memref<12800xf32, #tpu.memory_space<vmem>>[vector<16xi32>], vector<16xf32>,
        %add3A_314 = arith.constant 256 : i32
        %add3A_315 = vector.broadcast %add3A_314 : i32 to vector<16xi32>
        %add3A_316 = arith.addi %add3A_308, %add3A_315 : vector<16xi32>
        %mul3A_317 = arith.mulf %sub3A_257, %mul3A_297 : vector<16xf32>
        tpu.vector_store_idx %arg13[%add3A_316], %mul3A_317 : memref<12800xf32, #tpu.memory_space<vmem>>[vector<16xi32>], vector<16xf32>,
        %add3A_318 = arith.constant 384 : i32
        %add3A_319 = vector.broadcast %add3A_318 : i32 to vector<16xi32>
        %add3A_320 = arith.addi %add3A_308, %add3A_319 : vector<16xi32>
        %mul3A_321 = arith.mulf %sub3A_266, %mul3A_297 : vector<16xf32>
        tpu.vector_store_idx %arg13[%add3A_320], %mul3A_321 : memref<12800xf32, #tpu.memory_space<vmem>>[vector<16xi32>], vector<16xf32>,
      }
      %scan3A_143 = arith.constant 100 : i32
      %add3A_144 = arith.constant 1984 : i32
      %add3A_145 = arith.addi %add3A, %add3A_144 : i32
      %mul3A_146 = arith.constant 4 : i32
      %mul3A_147 = arith.muli %mul3A_146, %add3A_145 : i32
      %mul3A_148 = arith.constant 3200 : i32
      %mul3A_149 = arith.muli %mul3A_147, %mul3A_148 : i32
      %dma_start3A_150 = tpu.memref_slice %arg6[%mul3A_149] : memref<25600000xf32, #tpu.memory_space<hbm>> -> memref<12800xf32, #tpu.memory_space<hbm>>
      %dma_start3A_151 = tpu.memref_slice %arg6[%mul3A_149] : memref<25600000xf32, #tpu.memory_space<hbm>> -> memref<12800xf32, #tpu.memory_space<hbm>>
      tpu.enqueue_dma source(%arg13 : memref<12800xf32, #tpu.memory_space<vmem>>) target(%dma_start3A_151 : memref<12800xf32, #tpu.memory_space<hbm>>) target_semaphore(%arg22 : memref<!tpu.dma_semaphore, #tpu.memory_space<semaphore_mem>>)
    } else {
    }
    %add3A_83 = arith.constant 2048 : i32
    %add3A_84 = arith.addi %add3A, %add3A_83 : i32
    %lt3A_85 = arith.constant 2000 : i32
    %lt3A_86 = arith.cmpi slt, %add3A_84, %lt3A_85 : i32
    %convert_element_type3A_87 = arith.extui %lt3A_86 : i1 to i32
    %cond3A_88 = arith.constant 0 : i32
    %cond3A_89 = arith.cmpi ne, %convert_element_type3A_87, %cond3A_88 : i32
    scf.if %cond3A_89 {
      %add3A_98 = arith.constant 2048 : i32
      %add3A_99 = arith.addi %add3A, %add3A_98 : i32
      %mul3A_100 = arith.constant 3200 : i32
      %mul3A_101 = arith.muli %add3A_99, %mul3A_100 : i32
      %dma_start3A_102 = tpu.memref_slice %arg2[%mul3A_101] : memref<12800000xi32, #tpu.memory_space<hbm>> -> memref<3200xi32, #tpu.memory_space<hbm>>
      %dma_start3A_103 = tpu.memref_slice %arg2[%mul3A_101] : memref<12800000xi32, #tpu.memory_space<hbm>> -> memref<3200xi32, #tpu.memory_space<hbm>>
      tpu.enqueue_dma source(%dma_start3A_103 : memref<3200xi32, #tpu.memory_space<hbm>>) target(%arg7 : memref<3200xi32, #tpu.memory_space<vmem>>) target_semaphore(%arg18 : memref<!tpu.dma_semaphore, #tpu.memory_space<semaphore_mem>>)
      %add3A_104 = arith.constant 6400000 : i32
      %add3A_105 = arith.addi %add3A_104, %mul3A_101 : i32
      %dma_start3A_106 = tpu.memref_slice %arg2[%add3A_105] : memref<12800000xi32, #tpu.memory_space<hbm>> -> memref<3200xi32, #tpu.memory_space<hbm>>
      %dma_start3A_107 = tpu.memref_slice %arg2[%add3A_105] : memref<12800000xi32, #tpu.memory_space<hbm>> -> memref<3200xi32, #tpu.memory_space<hbm>>
      tpu.enqueue_dma source(%dma_start3A_107 : memref<3200xi32, #tpu.memory_space<hbm>>) target(%arg9 : memref<3200xi32, #tpu.memory_space<vmem>>) target_semaphore(%arg18 : memref<!tpu.dma_semaphore, #tpu.memory_space<semaphore_mem>>)
    } else {
    }
    %dma_wait3A_90 = arith.constant 0 : i32
    %dma_wait3A_91 = tpu.memref_slice %arg6[%dma_wait3A_90] : memref<25600000xf32, #tpu.memory_space<hbm>> -> memref<12800xf32, #tpu.memory_space<hbm>>
    %dma_wait3A_92 = arith.constant 0 : i32
    %dma_wait3A_93 = tpu.memref_slice %arg6[%dma_wait3A_92] : memref<25600000xf32, #tpu.memory_space<hbm>> -> memref<12800xf32, #tpu.memory_space<hbm>>
    tpu.wait_dma2 semaphore(%arg23 : memref<!tpu.dma_semaphore, #tpu.memory_space<semaphore_mem>>) src(%arg14 : memref<12800xf32, #tpu.memory_space<vmem>>) dst(%dma_wait3A_93 : memref<12800xf32, #tpu.memory_space<hbm>>)
    %dma_wait3A_94 = arith.constant 0 : i32
    %dma_wait3A_95 = tpu.memref_slice %arg6[%dma_wait3A_94] : memref<25600000xf32, #tpu.memory_space<hbm>> -> memref<12800xf32, #tpu.memory_space<hbm>>
    %dma_wait3A_96 = arith.constant 0 : i32
    %dma_wait3A_97 = tpu.memref_slice %arg6[%dma_wait3A_96] : memref<25600000xf32, #tpu.memory_space<hbm>> -> memref<12800xf32, #tpu.memory_space<hbm>>
    tpu.wait_dma2 semaphore(%arg22 : memref<!tpu.dma_semaphore, #tpu.memory_space<semaphore_mem>>) src(%arg13 : memref<12800xf32, #tpu.memory_space<vmem>>) dst(%dma_wait3A_97 : memref<12800xf32, #tpu.memory_space<hbm>>)
    return
  }
}

</mosaic_0001>

<sc_bundles>
// kernel: edge_props.3.cloned.1.call-start
scs
__scs_entry_jumppad:
0x0: {  	(pc) =	sbr.rel $0x88, $3  }
0x1: {  	(tag) =	ssettag $0x0;
	lr =	simm.s32 $0x1  }
0x2: {  	[smem:$0x3F9F] =	sst lr;
	_ =	strace $0xD0000000  }
0x3: {  	_ = 	snop  }
0x4: {  	_ = 	snop  }
0x5: {  	_ = 	snop  }
0x6: {  	_ = 	snop  }
0x7: {  	_ = 	snop  }
__scs_overlays_trampoline_lowered:
0x8: {  	[smem:$0x3FAE] =	sst s0  }
0x9: {  	[smem:$0x3FAF] =	sst s1  }
0xa: {  	[smem:$0x3FB0] =	sst s2  }
0xb: {  	[smem:$0x3FB1] =	sst s3  }
0xc: {  	[smem:$0x3FB2] =	sst s4  }
0xd: {  	[smem:$0x3FB3] =	sst s5  }
0xe: {  	[smem:$0x3FB4] =	sst s6  }
0xf: {  	[smem:$0x3FB5] =	sst s7  }
0x10: {  	[smem:$0x3FB6] =	sst s8  }
0x11: {  	[smem:$0x3FB7] =	sst s9;
	s0 =	simm.s32 @!p0 $0x0  }
0x12: {  	s1 =	sld [smem:$0x3F9D];
	s0 =	simm.s32 @p0 $0x1  }
0x13: {  	[smem:$0x3FB8] =	sst s0;
	s0 =	simm.s32 @!p1 $0x0  }
0x14: {  	s2 =	sld [smem:$0x3F9C];
	s0 =	simm.s32 @p1 $0x1  }
0x15: {  	[smem:$0x3FB9] =	sst s0;
	s0 =	simm.s32 @!p2 $0x0  }
0x16: {  	s3 =	sld [smem:$0x3FDB];
	s0 =	simm.s32 @p2 $0x1  }
0x17: {  	s4 =	simm.s32 $0x1BF5;
	[smem:$0x3FBB] =	sst s0  }
0x18: {  	s0 =	sld [smem:$0x3F9E];
	_ =	swait.ge [sflag:s4], $0x0  }
0x19: {  	s7 =	sld [smem:$0x3F9F]  }
0x1a: {  	s8 =	sadd.s32 $0xFFFFE003, lr  }
0x1b: {  	s9 =	sadd.s32 $0xFFFFFEF7, lr;
	s5 =	simm.s32 $0xFFFFFFFF;
	p2 =	slt.u32 s8, $0xFFFFF086  }
0x1c: {  	p1 =	slt.u32 s9, $0xF7A;
	s5 =	simm.s32 @!p2 $0x0  }
0x1d: {  	s5 =	simm.s32 @p1 $0x1;
	p0 =	seq.s32 s7, s2  }
0x1e: {  	s7 =	smul.u32 @!p0 $0xF7A, s2;
	p2 =	seq.s32 @!p0 s5, $0x0  }
0x1f: {  	s9 =	smul.u32 $0xF7A, s1;
	s8 =	simm.s32 @!p0 $0x1BF5;
	p2 =	por !p2, p0  }
0x20: {  	[sflag:s8] =	ssyncset.s32 @!p0 $0xFFFFF086;
	s6 =	sadd.s32 @!p0 s3, s7;
	s7 =	simm.s32 @!p0 $0x108  }
0x21: {  	s3 =	sadd.s32 s3, s9;
	s6 =	sadd.s32 @!p0 $0x88, s6;
	s7 =	simm.s32 @p2 $0x1082  }
0x22: {  	[simem:s7], [sflag:s8] =	dma.local @!p0 [hbm:s6], $0xF7A  }
0x23: {  	s9 =	sor.u32 $0xD0000000, s2;
	s6 =	simm.s32 $0x108;
	_ =	swait.ge @!p0 [sflag:s8], $0x0  }
0x24: {  	s3 =	sadd.s32 $0x88, s3;
	s6 =	simm.s32 @!p1 $0x1082;
	[sflag:s4] =	ssyncset.s32 $0xFFFFF086  }
0x25: {  	[simem:s6], [sflag:s4] =	dma.local [hbm:s3], $0xF7A  }
0x26: {  	[smem:$0x3F9F] =	sst s1;
	(tag) =	ssettag s2;
	_ =	strace s9  }
0x27: {  	s1 =	sld [smem:$0x3FAF]  }
0x28: {  	s2 =	sld [smem:$0x3FB0]  }
0x29: {  	s4 =	sld [smem:$0x3FB2]  }
0x2a: {  	p0 =	seq.s32 s5, $0x0;
	s5 =	sld [smem:$0x3FB3]  }
0x2b: {  	s6 =	sld [smem:$0x3FB4]  }
0x2c: {  	s7 =	sld [smem:$0x3FB5]  }
0x2d: {  	s3 =	simm.s32 $0x108;
	s8 =	sld [smem:$0x3FB6]  }
0x2e: {  	s3 =	simm.s32 @!p0 $0x1082;
	s9 =	sld [smem:$0x3FB7]  }
0x2f: {  	lr =	sadd.s32 s0, s3;
	s0 =	sld [smem:$0x3FAE]  }
0x30: {  	s3 =	sld [smem:$0x3FB1]  }
0x31: {  	[smem:$0x3FBA] =	sst s10  }
0x32: {  	s10 =	sld [smem:$0x3FB8];
	_ =	sdelay $0x3  }
0x33: {  	p0 =	seq.s32 s10, $0x1;
	s10 =	sld [smem:$0x3FBA];
	_ =	sdelay $0x3  }
0x34: {  	[smem:$0x3FBA] =	sst s10  }
0x35: {  	s10 =	sld [smem:$0x3FB9];
	_ =	sdelay $0x3  }
0x36: {  	p1 =	seq.s32 s10, $0x1;
	s10 =	sld [smem:$0x3FBA];
	_ =	sdelay $0x3  }
0x37: {  	[smem:$0x3FBA] =	sst s10  }
0x38: {  	s10 =	sld [smem:$0x3FBB]  }
0x39: {  	_ = 	snop;
	(pc) =	sbr.ind lr, $3  }
0x3a: {  	_ = 	snop  }
0x3b: {  	_ = 	snop  }
0x3c: {  	p2 =	seq.s32 s10, $0x1;
	s10 =	sld [smem:$0x3FBA]  }
0x3d: {  	_ =	shalt  }
0x3e: {  	_ =	shalt  }
0x3f: {  	_ =	shalt  }
0x40: {  	_ =	shalt  }
0x41: {  	_ =	shalt  }
0x42: {  	_ =	shalt  }
0x43: {  	_ =	shalt  }
0x44: {  	_ =	shalt  }
0x45: {  	_ =	shalt  }
0x46: {  	_ =	shalt  }
0x47: {  	_ =	shalt  }
0x48: {  	_ =	shalt  }
0x49: {  	_ =	shalt  }
0x4a: {  	_ =	shalt  }
0x4b: {  	_ =	shalt  }
0x4c: {  	_ =	shalt  }
0x4d: {  	_ =	shalt  }
0x4e: {  	_ =	shalt  }
0x4f: {  	_ =	shalt  }
0x50: {  	_ =	shalt  }
0x51: {  	_ =	shalt  }
0x52: {  	_ =	shalt  }
0x53: {  	_ =	shalt  }
0x54: {  	_ =	shalt  }
0x55: {  	_ =	shalt  }
0x56: {  	_ =	shalt  }
0x57: {  	_ =	shalt  }
0x58: {  	_ =	shalt  }
0x59: {  	_ =	shalt  }
0x5a: {  	_ =	shalt  }
0x5b: {  	_ =	shalt  }
0x5c: {  	_ =	shalt  }
0x5d: {  	_ =	shalt  }
0x5e: {  	_ =	shalt  }
0x5f: {  	_ =	shalt  }
0x60: {  	_ =	shalt  }
0x61: {  	_ =	shalt  }
0x62: {  	_ =	shalt  }
0x63: {  	_ =	shalt  }
0x64: {  	_ =	shalt  }
0x65: {  	_ =	shalt  }
0x66: {  	_ =	shalt  }
0x67: {  	_ =	shalt  }
0x68: {  	_ =	shalt  }
0x69: {  	_ =	shalt  }
0x6a: {  	_ =	shalt  }
0x6b: {  	_ =	shalt  }
0x6c: {  	_ =	shalt  }
0x6d: {  	_ =	shalt  }
0x6e: {  	_ =	shalt  }
0x6f: {  	_ =	shalt  }
0x70: {  	_ =	shalt  }
0x71: {  	_ =	shalt  }
0x72: {  	_ =	shalt  }
0x73: {  	_ =	shalt  }
0x74: {  	_ =	shalt  }
0x75: {  	_ =	shalt  }
0x76: {  	_ =	shalt  }
0x77: {  	_ =	shalt  }
0x78: {  	_ =	shalt  }
0x79: {  	_ =	shalt  }
0x7a: {  	_ =	shalt  }
0x7b: {  	_ =	shalt  }
0x7c: {  	_ =	shalt  }
0x7d: {  	_ =	shalt  }
0x7e: {  	_ =	shalt  }
0x7f: {  	_ =	shalt  }
0x80: {  	_ =	shalt  }
0x81: {  	_ =	shalt  }
0x82: {  	_ =	shalt  }
0x83: {  	_ =	shalt  }
0x84: {  	_ =	shalt  }
0x85: {  	_ =	shalt  }
0x86: {  	_ =	shalt  }
0x87: {  	_ =	shalt  }
.Lfunc_end0:
.L_simem_size_0:
called_computation.1_lowered:
.L_overlay_start_0:
0x88: {  	s2 =	sld [smem:$0x3FD9]  }
0x89: {  	s3 =	sld [smem:$0x3FFE];
	_ =	sdelay $0x1  }
0x8a: {  	s1 =	srdreg.scid  }
0x8b: {  	s0 =	sand.u32 $0x1, s1  }
0x8c: {  	s17 =	sshll.u32 s0, $0xA;
	s2 =	sadd.s32 s3, s2  }
0x8d: {  	s2 =	sadd.s32 s2, s17  }
0x8e: {  	[smem:$0x3FC6] =	sst s2  }
0x8f: {  	_ = 	snop  }
0x90: {  	s2 =	sld [smem:$0x3FD0];
	(tm) =	ssettm $0x1  }
0x91: {  	s18 =	sld [smem:$0x3FFB];
	_ =	sdelay $0x3  }
0x92: {  	_ =	strace s18  }
0x93: {  	s3 =	sld [smem:$0x3FFC];
	_ =	sdelay $0x3  }
0x94: {  	_ =	strace s3  }
0x95: {  	s3 =	sld [smem:$0x3FFD];
	_ =	sdelay $0x3  }
0x96: {  	_ =	strace s3  }
0x97: {  	_ =	strace $0x8FFFFFFF  }
0x98: {  	s19 =	sld [smem:$0x3FDB];
	_ =	sdelay $0x1  }
0x99: {  	s4 =	simm.s32 $_scs_section_size  }
0x9a: {  	s5 =	simm.s32 $_size__tile_overlayer_lowered;
	s6 =	simm.s32 $_tile_overlayer_lowered  }
0x9b: {  	s22 =	simm.s32 $0x1BFF;
	s21 =	sshll.u32 s6, $0x1;
	s3 =	sadd.s32 s4, s19  }
0x9c: {  	s7 =	simm.s32 $0x0;
	s20 =	sshll.u32 s5, $0x1;
	s5 =	sadd.s32 s21, s3  }
0x9d: {  	[timem:s7], [sflag:s22] =	dma.local [hbm:s5], s20  }
0x9e: {  	_ =	swait.ge [sflag:s22], s20  }
0x9f: {  	s4 =	ssub.s32 $0x0, s20;
	[sflag:s22] =	ssyncset.done $0x0  }
0xa0: {  	[sflag:s22] =	ssyncadd.s32 s4;
	_ =	sdelay $0x1  }
0xa1: {  	s23 =	simm.s32 $0x1B8B  }
0xa2: {  	_ =	swait.ge [sflag:s23], $0x1  }
0xa3: {  	[sflag:s23] =	ssyncset.done $0x0  }
0xa4: {  	s25 =	simm.s32 $0x1B8E;
	s24 =	sld [smem:$0x3FFE];
	[sflag:s23] =	ssyncadd.s32 $0xFFFFFFFF  }
0xa5: {  	s26 =	simm.s32 $execute0_lowered;
	[smem:$0x3FD2] =	sst s25  }
0xa6: {  	s5 =	sshll.u32 s26, $0x1;
	_ =	strace $0x80000049;
	[dreg:$0x1] =	wrdreg $0xFFFFFFFF  }
0xa7: {  	s28 =	simm.s32 $_size_execute0_lowered;
	s3 =	sadd.s32 s3, s5;
	[dreg:$0x0] =	wrdreg $0x0  }
0xa8: {  	s5 =	sshll.u32 s28, $0x1;
	[dreg:$0x2] =	wrdreg s3  }
0xa9: {  	[dreg:$0x3] =	wrdreg s5  }
0xaa: {  	[dreg:$0x4] =	wrdreg $0xC0  }
0xab: {  	_ =	task [dreg:s7], $0x5FFFF  }
0xac: {  	[dreg:$0x1] =	wrdreg $0xFFFFFFFF  }
0xad: {  	[dreg:$0x0] =	wrdreg $0x60  }
0xae: {  	[dreg:$0x2] =	wrdreg s24  }
0xaf: {  	[dreg:$0x3] =	wrdreg s2  }
0xb0: {  	[dreg:$0x4] =	wrdreg $0x12C000  }
0xb1: {  	[dreg:$0x5] =	wrdreg $0x144700  }
0xb2: {  	[dreg:$0x6] =	wrdreg $0x15CE00  }
0xb3: {  	[dreg:$0x7] =	wrdreg $0x9  }
0xb4: {  	_ =	task.clear_ibuf [dreg:s7], $0x8FFFF;
	_ =	strace $0x90000049  }
0xb5: {  	s29 =	simm.s32 $0x9;
	_ =	strace $0x8000004B  }
0xb6: {  	_ =	swait.ge [sflag:s29], $0x1  }
0xb7: {  	[sflag:s29] =	ssyncadd.s32 $0xFFFFFFFF  }
0xb8: {  	_ =	strace $0x9000004B  }
0xb9: {  	_ =	sfence  }
0xba: {  	s30 =	sld [smem:$0x0];
	_ =	sdelay $0x2  }
0xbb: {  	s31 =	sshll.u32 s1, $0xD;
	s1 =	sshrl.u32 s1, $0x2  }
0xbc: {  	s3 =	sand.u32 $0x4000, s31;
	s1 =	sadd.s32 s1, s30  }
0xbd: {  	s0 =	sor.u32 s3, s0;
	s1 =	sshll.u32 s1, $0x11  }
0xbe: {  	s0 =	sor.u32 s1, s0  }
0xbf: {  	s0 =	sadd.s32 $0x8F2B, s0  }
0xc0: {  	[sflag:s0] =	ssyncadd.remote.s32 $0x1  }
0xc1: {  	_ =	sfence.sel $0xFFFF  }
0xc2: {  	[dreg:$0x0] =	wrdreg $0xFFFFFFFF;
	(pc) =	sbr.abs _section_cstart, $3  }
0xc3: {  	[dreg:$0x1] =	wrdreg $0xFFFFFFFF  }
0xc4: {  	_ =	task.clear_ibuf [dreg:s7], $0x2FFFF;
	_ =	strace $0x9FFFFFFF  }
0xc5: {  	(tm) =	ssettm $0x7FFFFFFF  }
tec
execute0_lowered:
.L_overlay_start_1:
0x0: {  	(tag) =	ssettag $0x1  }
0x1: {  	s1 =	rddreg [dreg:$0x0]  }
0x2: {  	s2 =	rddreg [dreg:$0x1]  }
0x3: {  	s3 =	rddreg [dreg:$0x2]  }
0x4: {  	s4 =	rddreg [dreg:$0x3]  }
0x5: {  	s5 =	rddreg [dreg:$0x4]  }
0x6: {  	s0 =	srdreg.scid;
	s8 =	stileid.u32  }
0x7: {  	s6 =	simm.s32 $0x0;
	s29 =	simm.s32 $0x2;
	s31 =	simm.s32 $0x8980  }
0x8: {  	s28 =	simm.s32 $0xA280;
	s17 =	simm.s32 $0xAF00;
	s13 =	simm.s32 $0xFA00  }
0x9: {  	s14 =	simm.s32 $0x0;
	s0 =	sand.u32 $0x1, s0;
	[smem:$0x7FF] =	sst s6  }
0xa: {  	s7 =	sshll.u32 s8, $0x1;
	s10 =	sadd.s32 $0x18CE00, s1;
	s23 =	sadd.s32 $0x189C00, s1  }
0xb: {  	s12 =	sadd.s32 $0x186A00, s1;
	p0 =	sne.s32 s8, $0x0;
	s19 =	sadd.s32 $0xC800, s2  }
0xc: {  	p1 =	sgt.u32 s8, $0x7;
	s8 =	simm.s32 $0xBB80;
	s7 =	sor.u32 s0, s7  }
0xd: {  	_ =	strace $0x8000004A;
	[dreg:$0x6] =	wrdreg s10;
	s0 =	ssub.s32 $0x2, s0  }
0xe: {  	[dreg:$0x7] =	wrdreg s23;
	s9 =	smul.u32 $0xC80, s7;
	s24 =	sshrl.u32 s0, $0x1  }
0xf: {  	[dreg:$0x8] =	wrdreg s12;
	s12 =	simm.s32 $0x4;
	s0 =	ssub.s32 s0, s24  }
0x10: {  	s11 =	smul.u32 $0x3200, s7;
	s9 =	sshrl.u32 s9, $0x3;
	s0 =	smax.u32 s0, $0x1  }
0x11: {  	s15 =	sor.u32 $0x40, s7;
	s25 =	sadd.s32 s1, s9;
	[dreg:$0xe] =	wrdreg s0  }
0x12: {  	s16 =	sor.u32 $0x60, s7;
	s0 =	sshrl.u32 @!p0 s3, $0x3;
	[dreg:$0x9] =	wrdreg s25  }
0x13: {  	s24 =	simm.s32 $0xC80;
	s9 =	sadd.s32 $0xC3500, s25;
	[dreg:$0xf] =	wrdreg s0  }
0x14: {  	s30 =	sshrl.u32 s11, $0x3;
	s26 =	sadd.s32 $0x3200, s25;
	[dreg:$0xa] =	wrdreg s9  }
.Ltmp0:
0x15: {  	s10 =	sadd.s32 $0xC6700, s25;
	[dreg:$0xb] =	wrdreg s26;
	(pc) =	sbr.rel .LBB2_1-.Ltmp0, $4  }
0x16: {  	s0 =	sshrl.u32 @!p0 s4, $0x3;
	s25 =	simm.s32 $0x2580;
	[dreg:$0xc] =	wrdreg s10  }
0x17: {  	v0 =	vlaneseq.u32;
	s9 =	sadd.s32 s2, s30;
	[dreg:$0x10] =	wrdreg s0;
	s0 =	sshrl.u32 @!p0 s5, $0x3  }
0x18: {  	v1 =	vor.u32 $0xFFFFFE68, v0;
	v2 =	vor.u32 $0x80, v0;
	s10 =	simm.s32 $0xC800;
	s9 =	sadd.s32 $0x307000, s9;
	[dreg:$0x11] =	wrdreg s0  }
0x19: {  	v3 =	vor.u32 $0x100, v0;
	v4 =	vor.u32 $0x180, v0;
	v5 =	vor.u32 $0xFFFFFE78, v0;
	s0 =	simm.s32 $0x9600;
	[dreg:$0xd] =	wrdreg s9;
	s9 =	simm.s32 $0x3  }
.LBB2_11:
0x1a: {  	s2 =	simm.s32 $0x6  }
0x1b: {  	_ =	swait.ge [sflag:s2], $0x3200  }
0x1c: {  	[sflag:s2] =	ssyncset.done $0x0  }
0x1d: {  	s11 =	simm.s32 $0x5;
	[sflag:s2] =	ssyncadd.s32 $0xFFFFCE00  }
0x1e: {  	_ =	swait.ge [sflag:s11], $0x3200  }
0x1f: {  	s14 =	sadd.s32 $0x1, s14;
	s30 =	rddreg [dreg:$0xe]  }
0x20: {  	p2 =	sne.s32 s14, s30  }
.Ltmp1:
0x21: {  	_ = 	snop;
	(pc) =	sbr.rel @!p2 .LBB2_12-.Ltmp1, $3  }
0x22: {  	_ =	sdelay $0x1  }
0x23: {  	[sflag:s11] =	ssyncset.done $0x0  }
0x24: {  	[sflag:s11] =	ssyncadd.s32 $0xFFFFCE00  }
.LBB2_1:
0x25: {  	[dreg:$0x12] =	wrdreg s14  }
0x26: {  	s2 =	rddreg [dreg:$0x6]  }
0x27: {  	s11 =	simm.s32 @!p0 $0x1C07;
	s14 =	rddreg [dreg:$0xf]  }
0x28: {  	[spmem:s14], [sflag:s11] =	dma.local @!p0 [hbm:s2], $0x30D4  }
0x29: {  	s14 =	simm.s32 @!p0 $0x7  }
0x2a: {  	_ =	swait.ge @!p0 [sflag:s14], $0x30D4  }
0x2b: {  	[sflag:s14] =	ssyncset.done @!p0 $0x0;
	s2 =	rddreg [dreg:$0x7]  }
0x2c: {  	s18 =	rddreg [dreg:$0x10];
	[sflag:s14] =	ssyncadd.s32 @!p0 $0xFFFFCF2C  }
0x2d: {  	[spmem:s18], [sflag:s11] =	dma.local @!p0 [hbm:s2], $0x30D4  }
0x2e: {  	_ =	swait.ge @!p0 [sflag:s14], $0x30D4  }
0x2f: {  	[sflag:s14] =	ssyncset.done @!p0 $0x0;
	s2 =	rddreg [dreg:$0x8]  }
0x30: {  	s18 =	rddreg [dreg:$0x11];
	[sflag:s14] =	ssyncadd.s32 @!p0 $0xFFFFCF2C  }
0x31: {  	[spmem:s18], [sflag:s11] =	dma.local @!p0 [hbm:s2], $0x30D4  }
0x32: {  	_ =	swait.ge @!p0 [sflag:s14], $0x30D4  }
0x33: {  	[sflag:s14] =	ssyncset.done @!p0 $0x0  }
0x34: {  	[sflag:s14] =	ssyncadd.s32 @!p0 $0xFFFFCF2C  }
0x35: {  	[bflag:$0x0] =	sbarrier.arrive $0xFFFF  }
0x36: {  	s23 =	rddreg [dreg:$0x9]  }
0x37: {  	[tilespmem:s6], [sflag:$0x1] =	stream.linear.gather [hbm4b:s23+s6], $0xC80, $0x38;
	[tilespmem:$0x17550] =	vst v63  }
0x38: {  	s11 =	simm.s32 $0x1900;
	s26 =	rddreg [dreg:$0xa]  }
0x39: {  	[tilespmem:s11], [sflag:$0x1] =	stream.linear.gather [hbm4b:s26+s6], $0xC80, $0x38;
	[tilespmem:$0x17550] =	vst v63  }
0x3a: {  	s30 =	rddreg [dreg:$0xb]  }
0x3b: {  	[tilespmem:s24], [sflag:$0x2] =	stream.linear.gather [hbm4b:s30+s6], $0xC80, $0x38;
	[tilespmem:$0x17550] =	vst v63  }
0x3c: {  	s18 =	simm.s32 $0x1;
	s14 =	rddreg [dreg:$0xc]  }
0x3d: {  	[tilespmem:s25], [sflag:$0x2] =	stream.linear.gather [hbm4b:s14+s6], $0xC80, $0x38;
	[tilespmem:$0x17550] =	vst v63  }
0x3e: {  	_ =	swait.ge [sflag:s18], $0xC80  }
0x3f: {  	[sflag:s18] =	ssyncset.done $0x0  }
0x40: {  	[sflag:s18] =	ssyncadd.s32 $0xFFFFF380  }
0x41: {  	_ =	swait.ge [sflag:s18], $0xC80  }
0x42: {  	[sflag:s18] =	ssyncset.done $0x0  }
0x43: {  	s20 =	simm.s32 $0x3200;
	[sflag:s18] =	ssyncadd.s32 $0xFFFFF380  }
0x44: {  	[tilespmem:s20], [sflag:$0x3] =	stream.indirect.gather [spmem:s3], $0x1, s6, s24, $0xb8;
	[tilespmem:$0x17550] =	vst v63  }
0x45: {  	s21 =	simm.s32 $0x3E80  }
0x46: {  	[tilespmem:s21], [sflag:$0x3] =	stream.indirect.gather [spmem:s4], $0x1, s6, s24, $0xb8;
	[tilespmem:$0x17550] =	vst v63  }
0x47: {  	s22 =	simm.s32 $0x4B00  }
0x48: {  	[tilespmem:s22], [sflag:$0x3] =	stream.indirect.gather [spmem:s5], $0x1, s6, s24, $0xb8;
	[tilespmem:$0x17550] =	vst v63  }
0x49: {  	s23 =	simm.s32 $0x5780  }
0x4a: {  	[tilespmem:s23], [sflag:$0x3] =	stream.indirect.gather [spmem:s3], $0x1, s11, s24, $0xb8;
	[tilespmem:$0x17550] =	vst v63  }
0x4b: {  	s26 =	simm.s32 $0x6400  }
0x4c: {  	[tilespmem:s26], [sflag:$0x3] =	stream.indirect.gather [spmem:s4], $0x1, s11, s24, $0xb8;
	[tilespmem:$0x17550] =	vst v63  }
0x4d: {  	s30 =	simm.s32 $0x7080;
	s21 =	simm.s32 $0x0  }
0x4e: {  	[tilespmem:s30], [sflag:$0x3] =	stream.indirect.gather [spmem:s5], $0x1, s11, s24, $0xb8;
	[tilespmem:$0x17550] =	vst v63  }
.LBB2_2:
0x4f: {  	_ =	swait.ge [sflag:s29], $0xC80  }
0x50: {  	[sflag:s29] =	ssyncset.done $0x0  }
0x51: {  	[sflag:s29] =	ssyncadd.s32 $0xFFFFF380  }
0x52: {  	_ =	swait.ge [sflag:s29], $0xC80  }
0x53: {  	[sflag:s29] =	ssyncset.done $0x0  }
0x54: {  	s2 =	simm.s32 $0x7D00;
	[sflag:s29] =	ssyncadd.s32 $0xFFFFF380  }
0x55: {  	[tilespmem:s2], [sflag:$0x4] =	stream.indirect.gather [spmem:s3], $0x1, s24, s24, $0xb8;
	[tilespmem:$0x17550] =	vst v63  }
0x56: {  	_ = 	snop  }
0x57: {  	[tilespmem:s31], [sflag:$0x4] =	stream.indirect.gather [spmem:s4], $0x1, s24, s24, $0xb8;
	[tilespmem:$0x17550] =	vst v63  }
0x58: {  	_ = 	snop  }
0x59: {  	[tilespmem:s0], [sflag:$0x4] =	stream.indirect.gather [spmem:s5], $0x1, s24, s24, $0xb8;
	[tilespmem:$0x17550] =	vst v63  }
0x5a: {  	_ = 	snop  }
0x5b: {  	[tilespmem:s28], [sflag:$0x4] =	stream.indirect.gather [spmem:s3], $0x1, s25, s24, $0xb8;
	[tilespmem:$0x17550] =	vst v63  }
0x5c: {  	_ = 	snop  }
0x5d: {  	[tilespmem:s17], [sflag:$0x4] =	stream.indirect.gather [spmem:s4], $0x1, s25, s24, $0xb8;
	[tilespmem:$0x17550] =	vst v63  }
0x5e: {  	_ = 	snop  }
0x5f: {  	[tilespmem:s8], [sflag:$0x4] =	stream.indirect.gather [spmem:s5], $0x1, s25, s24, $0xb8;
	[tilespmem:$0x17550] =	vst v63  }
0x60: {  	_ =	swait.ge [sflag:s9], $0xC80  }
0x61: {  	[sflag:s9] =	ssyncset.done $0x0  }
0x62: {  	[sflag:s9] =	ssyncadd.s32 $0xFFFFF380  }
0x63: {  	_ =	swait.ge [sflag:s9], $0xC80  }
0x64: {  	[sflag:s9] =	ssyncset.done $0x0  }
0x65: {  	[sflag:s9] =	ssyncadd.s32 $0xFFFFF380  }
0x66: {  	_ =	swait.ge [sflag:s9], $0xC80  }
0x67: {  	[sflag:s9] =	ssyncset.done $0x0  }
0x68: {  	[sflag:s9] =	ssyncadd.s32 $0xFFFFF380  }
0x69: {  	_ =	swait.ge [sflag:s9], $0xC80  }
0x6a: {  	[sflag:s9] =	ssyncset.done $0x0  }
0x6b: {  	[sflag:s9] =	ssyncadd.s32 $0xFFFFF380  }
0x6c: {  	_ =	swait.ge [sflag:s9], $0xC80  }
0x6d: {  	[sflag:s9] =	ssyncset.done $0x0  }
0x6e: {  	[sflag:s9] =	ssyncadd.s32 $0xFFFFF380  }
0x6f: {  	_ =	swait.ge [sflag:s9], $0xC80  }
0x70: {  	p2 =	seq.s32 s21, $0x0;
	[sflag:s9] =	ssyncset.done $0x0  }
0x71: {  	s11 =	simm.s32 @!p2 $0x5;
	[sflag:s9] =	ssyncadd.s32 $0xFFFFF380  }
0x72: {  	_ =	swait.ge @!p2 [sflag:s11], $0x3200  }
0x73: {  	[sflag:s11] =	ssyncset.done @!p2 $0x0  }
0x74: {  	[sflag:s11] =	ssyncadd.s32 @!p2 $0xFFFFCE00;
	s11 =	simm.s32 $0x0  }
0x75: {  	v6 =	vld [tilespmem:s11+$0x5780]  }
0x76: {  	v7 =	vld [tilespmem:s11+$0x3200]  }
0x77: {  	v8 =	vld [tilespmem:s11+$0x6400]  }
0x78: {  	v9 =	vld [tilespmem:s11+$0x3E80]  }
0x79: {  	v10 =	vld [tilespmem:s11+$0x7080]  }
0x7a: {  	v11 =	vld [tilespmem:s11+$0x4B00];
	_ =	sdelay $0x2  }
0x7b: {  	v6 =	vsub.f32 v7, v6;
	v7 =	vsub.f32 v9, v8;
	_ =	sdelay $0x1  }
0x7c: {  	v8 =	vsub.f32 v11, v10;
	v9 =	vmul.f32 v6, v6;
	v10 =	vmul.f32 v7, v7;
	_ =	sdelay $0x1  }
0x7d: {  	v9 =	vadd.f32 v10, v9;
	v10 =	vmul.f32 v8, v8;
	_ =	sdelay $0x1  }
0x7e: {  	v9 =	vadd.f32 v10, v9;
	_ =	sdelay $0x1  }
0x7f: {  	v10 =	vshra.s32 v9, $0x1;
	v11 =	vmul.f32 $5.000000000e-01, v9  }
0x80: {  	v10 =	vsub.s32 $0x5F3759DF, v10  }
0x81: {  	v12 =	vmul.f32 v10, v11;
	_ =	sdelay $0x1  }
0x82: {  	v12 =	vmul.f32 v10, v12;
	_ =	sdelay $0x1  }
0x83: {  	v12 =	vsub.f32 $1.500000000e+00, v12;
	_ =	sdelay $0x1  }
0x84: {  	v10 =	vmul.f32 v10, v12;
	_ =	sdelay $0x1  }
0x85: {  	v11 =	vmul.f32 v10, v11  }
0x86: {  	s23 =	simm.s32 $0x0;
	s14 =	simm.s32 $0x0  }
0x87: {  	s20 =	sand.u32 $0x3E00, s23;
	s14 =	sand.u32 $0x60, s14;
	v11 =	vmul.f32 v11, v10  }
0x88: {  	s14 =	sor.u32 s14, s20  }
0x89: {  	v63 =	vor.u32 s14, v0;
	v11 =	vsub.f32 $1.500000000e+00, v11  }
0x8a: {  	v12 =	vand.u32 v1, v63  }
0x8b: {  	v10 =	vmul.f32 v11, v10;
	v11 =	vor.u32 s14, v2  }
0x8c: {  	v13 =	vor.u32 s14, v3  }
0x8d: {  	v14 =	vor.u32 s14, v4;
	v9 =	vmul.f32 v10, v9  }
0x8e: {  	v6 =	vmul.f32 v10, v6  }
0x8f: {  	v7 =	vmul.f32 v10, v7;
	[tilespmem:v12+s10+$0x0] =	vst.idx.msk $0xffff, v9  }
0x90: {  	v8 =	vmul.f32 v10, v8;
	[tilespmem:v11+s10+$0x0] =	vst.idx.msk $0xffff, v6  }
0x91: {  	[tilespmem:v13+s10+$0x0] =	vst.idx.msk $0xffff, v7  }
0x92: {  	[tilespmem:v14+s10+$0x0] =	vst.idx.msk $0xffff, v8  }
0x93: {  	v6 =	vld [tilespmem:s11+$0x6410]  }
0x94: {  	v7 =	vld [tilespmem:s11+$0x3E90]  }
0x95: {  	s30 =	simm.s32 $0x10;
	v8 =	vld [tilespmem:s11+$0x5790]  }
0x96: {  	s22 =	sshll.u32 s21, $0x6;
	s26 =	sand.u32 $0x70, s30;
	v9 =	vld [tilespmem:s11+$0x3210]  }
0x97: {  	s18 =	sor.u32 s22, s7;
	s20 =	sor.u32 s20, s26;
	s14 =	simm.s32 $0x30;
	v10 =	vld [tilespmem:s11+$0x4B10]  }
.LBB2_3:
0x98: {  	p3 =	sne.s32 s14, $0xC70  }
0x99: {  	v11 =	vld [tilespmem:s11+$0x7090];
	s23 =	sadd.s32 $0x80, s23;
	s26 =	smov.u32 s14;
	s14 =	sadd.s32 $0x20, s14  }
0x9a: {  	v6 =	vsub.f32 v7, v6;
	_ =	sdelay $0x1  }
0x9b: {  	v7 =	vsub.f32 v9, v8;
	_ =	sdelay $0x1  }
0x9c: {  	v8 =	vsub.f32 v10, v11;
	v9 =	vmul.f32 v7, v7;
	v10 =	vmul.f32 v6, v6  }
0x9d: {  	s11 =	sshra.s32 s23, $0x2  }
0x9e: {  	v9 =	vadd.f32 v10, v9;
	v10 =	vmul.f32 v8, v8;
	_ =	sdelay $0x1  }
0x9f: {  	v9 =	vadd.f32 v10, v9;
	_ =	sdelay $0x1  }
0xa0: {  	v10 =	vshra.s32 v9, $0x1;
	v11 =	vmul.f32 $5.000000000e-01, v9  }
0xa1: {  	v10 =	vsub.s32 $0x5F3759DF, v10  }
0xa2: {  	v12 =	vmul.f32 v10, v11;
	_ =	sdelay $0x1  }
0xa3: {  	v12 =	vmul.f32 v10, v12;
	_ =	sdelay $0x1  }
0xa4: {  	v12 =	vsub.f32 $1.500000000e+00, v12;
	_ =	sdelay $0x1  }
0xa5: {  	v10 =	vmul.f32 v10, v12;
	_ =	sdelay $0x1  }
0xa6: {  	v11 =	vmul.f32 v10, v11;
	_ =	sdelay $0x1  }
0xa7: {  	v11 =	vmul.f32 v11, v10  }
0xa8: {  	v12 =	vor.u32 s20, v0  }
0xa9: {  	v12 =	vand.u32 v5, v12;
	v11 =	vsub.f32 $1.500000000e+00, v11  }
0xaa: {  	v13 =	vor.u32 s20, v2  }
0xab: {  	v10 =	vmul.f32 v11, v10;
	v11 =	vor.u32 s20, v3  }
0xac: {  	v14 =	vor.u32 s20, v4  }
0xad: {  	v9 =	vmul.f32 v10, v9;
	v7 =	vmul.f32 v10, v7  }
0xae: {  	v6 =	vmul.f32 v10, v6;
	v8 =	vmul.f32 v10, v8  }
0xaf: {  	[tilespmem:v12+s10+$0x0] =	vst.idx.msk $0xffff, v9  }
0xb0: {  	[tilespmem:v13+s10+$0x0] =	vst.idx.msk $0xffff, v7  }
0xb1: {  	[tilespmem:v11+s10+$0x0] =	vst.idx.msk $0xffff, v6  }
0xb2: {  	[tilespmem:v14+s10+$0x0] =	vst.idx.msk $0xffff, v8  }
0xb3: {  	v6 =	vld [tilespmem:s11+$0x5780]  }
0xb4: {  	v7 =	vld [tilespmem:s11+$0x3200]  }
0xb5: {  	v8 =	vld [tilespmem:s11+$0x6400]  }
0xb6: {  	v9 =	vld [tilespmem:s11+$0x3E80]  }
0xb7: {  	v10 =	vld [tilespmem:s11+$0x7080]  }
0xb8: {  	v11 =	vld [tilespmem:s11+$0x4B00]  }
0xb9: {  	v6 =	vsub.f32 v7, v6;
	_ =	sdelay $0x1  }
0xba: {  	v7 =	vsub.f32 v9, v8;
	_ =	sdelay $0x1  }
0xbb: {  	v9 =	vmul.f32 v6, v6;
	v8 =	vsub.f32 v11, v10;
	v10 =	vmul.f32 v7, v7;
	_ =	sdelay $0x1  }
0xbc: {  	v9 =	vadd.f32 v10, v9;
	v10 =	vmul.f32 v8, v8;
	_ =	sdelay $0x1  }
0xbd: {  	v9 =	vadd.f32 v10, v9;
	_ =	sdelay $0x1  }
0xbe: {  	v10 =	vshra.s32 v9, $0x1;
	v11 =	vmul.f32 $5.000000000e-01, v9  }
0xbf: {  	v10 =	vsub.s32 $0x5F3759DF, v10  }
0xc0: {  	v12 =	vmul.f32 v10, v11;
	_ =	sdelay $0x1  }
0xc1: {  	v12 =	vmul.f32 v10, v12;
	_ =	sdelay $0x1  }
0xc2: {  	v12 =	vsub.f32 $1.500000000e+00, v12;
	_ =	sdelay $0x1  }
0xc3: {  	v10 =	vmul.f32 v10, v12;
	_ =	sdelay $0x1  }
0xc4: {  	v11 =	vmul.f32 v10, v11  }
0xc5: {  	s20 =	sadd.s32 $0xFFFFFFF0, s26  }
0xc6: {  	s2 =	sand.u32 $0x3E00, s23;
	s26 =	sand.u32 $0x70, s26;
	s20 =	sand.u32 $0x60, s20;
	v11 =	vmul.f32 v11, v10  }
0xc7: {  	s30 =	sor.u32 s20, s2;
	s20 =	sor.u32 s2, s26  }
0xc8: {  	v12 =	vor.u32 s30, v0;
	v11 =	vsub.f32 $1.500000000e+00, v11  }
0xc9: {  	v12 =	vand.u32 v1, v12  }
0xca: {  	v10 =	vmul.f32 v11, v10;
	v11 =	vor.u32 s30, v2  }
0xcb: {  	v13 =	vor.u32 s30, v3  }
0xcc: {  	v14 =	vor.u32 s30, v4;
	v9 =	vmul.f32 v10, v9;
	v7 =	vmul.f32 v10, v7  }
0xcd: {  	v6 =	vmul.f32 v10, v6;
	v8 =	vmul.f32 v10, v8  }
0xce: {  	[tilespmem:v12+s10+$0x0] =	vst.idx.msk $0xffff, v9  }
0xcf: {  	[tilespmem:v11+s10+$0x0] =	vst.idx.msk $0xffff, v6  }
0xd0: {  	[tilespmem:v13+s10+$0x0] =	vst.idx.msk $0xffff, v7  }
0xd1: {  	[tilespmem:v14+s10+$0x0] =	vst.idx.msk $0xffff, v8  }
.Ltmp2:
0xd2: {  	v6 =	vld [tilespmem:s11+$0x6410];
	(pc) =	sbr.rel @p3 .LBB2_3-.Ltmp2, $4  }
0xd3: {  	v7 =	vld [tilespmem:s11+$0x3E90]  }
0xd4: {  	v8 =	vld [tilespmem:s11+$0x5790]  }
0xd5: {  	v9 =	vld [tilespmem:s11+$0x3210]  }
0xd6: {  	v10 =	vld [tilespmem:s11+$0x4B10]  }
0xd7: {  	v11 =	vld [tilespmem:s11+$0x7090];
	_ =	sdelay $0x2  }
0xd8: {  	v6 =	vsub.f32 v7, v6;
	v7 =	vsub.f32 v9, v8;
	_ =	sdelay $0x1  }
0xd9: {  	v8 =	vsub.f32 v10, v11;
	v9 =	vmul.f32 v7, v7;
	v10 =	vmul.f32 v6, v6;
	_ =	sdelay $0x1  }
0xda: {  	v9 =	vadd.f32 v10, v9;
	v10 =	vmul.f32 v8, v8;
	_ =	sdelay $0x1  }
0xdb: {  	v9 =	vadd.f32 v10, v9;
	_ =	sdelay $0x1  }
0xdc: {  	v10 =	vshra.s32 v9, $0x1;
	v11 =	vmul.f32 $5.000000000e-01, v9  }
0xdd: {  	v10 =	vsub.s32 $0x5F3759DF, v10  }
0xde: {  	v12 =	vmul.f32 v10, v11;
	_ =	sdelay $0x1  }
0xdf: {  	v12 =	vmul.f32 v10, v12;
	_ =	sdelay $0x1  }
0xe0: {  	v12 =	vsub.f32 $1.500000000e+00, v12;
	_ =	sdelay $0x1  }
0xe1: {  	v10 =	vmul.f32 v10, v12;
	_ =	sdelay $0x1  }
0xe2: {  	v11 =	vmul.f32 v10, v11;
	_ =	sdelay $0x1  }
0xe3: {  	v11 =	vmul.f32 v11, v10;
	_ =	sdelay $0x1  }
0xe4: {  	v59 =	vor.u32 s20, v0;
	v11 =	vsub.f32 $1.500000000e+00, v11  }
0xe5: {  	v12 =	vand.u32 v5, v59  }
0xe6: {  	v13 =	vor.u32 s20, v2;
	v10 =	vmul.f32 v11, v10  }
0xe7: {  	v11 =	vor.u32 s20, v3  }
0xe8: {  	v14 =	vor.u32 s20, v4;
	v9 =	vmul.f32 v10, v9  }
0xe9: {  	s2 =	sadd.s32 s15, s22;
	v7 =	vmul.f32 v10, v7  }
0xea: {  	s11 =	smul.u32 $0x640, s18;
	p3 =	sgt.u32 s2, $0x7CF;
	v6 =	vmul.f32 v10, v6;
	[tilespmem:v12+s10+$0x0] =	vst.idx.msk $0xffff, v9  }
0xeb: {  	s2 =	smul.u32 @!p3 $0xC80, s2;
	v8 =	vmul.f32 v10, v8;
	[tilespmem:v13+s10+$0x0] =	vst.idx.msk $0xffff, v7  }
0xec: {  	s14 =	rddreg [dreg:$0x1];
	[tilespmem:v11+s10+$0x0] =	vst.idx.msk $0xffff, v6  }
0xed: {  	s14 =	sadd.s32 s14, s11;
	s2 =	sshrl.u32 @!p3 s2, $0x3;
	[tilespmem:v14+s10+$0x0] =	vst.idx.msk $0xffff, v8  }
0xee: {  	[hbm4b:s14+s6] =	stream.linear.scatter [tilespmem:s10], [sflag:$0x5], $0x3200, $0x38;
	[tilespmem:$0x17550] =	vst v63  }
0xef: {  	s2 =	sadd.s32 @!p3 s1, s2;
	s14 =	simm.s32 @!p3 $0x0  }
0xf0: {  	[tilespmem:s14], [sflag:$0x1] =	stream.linear.gather @!p3 [hbm4b:s2+s14], $0xC80, $0x38;
	[tilespmem:$0x17550] =	vst v63  }
0xf1: {  	s18 =	simm.s32 @!p3 $0x1900;
	s2 =	sadd.s32 @!p3 $0xC3500, s2  }
0xf2: {  	[tilespmem:s18], [sflag:$0x1] =	stream.linear.gather @!p3 [hbm4b:s2+s14], $0xC80, $0x38;
	[tilespmem:$0x17550] =	vst v63  }
0xf3: {  	s2 =	simm.s32 @!p3 $0x1  }
0xf4: {  	_ =	swait.ge @!p3 [sflag:s2], $0xC80  }
0xf5: {  	[sflag:s2] =	ssyncset.done @!p3 $0x0  }
0xf6: {  	[sflag:s2] =	ssyncadd.s32 @!p3 $0xFFFFF380  }
0xf7: {  	_ =	swait.ge @!p3 [sflag:s2], $0xC80  }
0xf8: {  	[sflag:s2] =	ssyncset.done @!p3 $0x0  }
0xf9: {  	s20 =	simm.s32 @!p3 $0x3200;
	[sflag:s2] =	ssyncadd.s32 @!p3 $0xFFFFF380;
	s2 =	simm.s32 @!p3 $0xC80  }
0xfa: {  	[tilespmem:s20], [sflag:$0x3] =	stream.indirect.gather @!p3 [spmem:s3], $0x1, s14, s2, $0xb8;
	[tilespmem:$0x17550] =	vst v63  }
0xfb: {  	s20 =	simm.s32 @!p3 $0x3E80  }
0xfc: {  	[tilespmem:s20], [sflag:$0x3] =	stream.indirect.gather @!p3 [spmem:s4], $0x1, s14, s2, $0xb8;
	[tilespmem:$0x17550] =	vst v63  }
0xfd: {  	s20 =	simm.s32 @!p3 $0x4B00  }
0xfe: {  	[tilespmem:s20], [sflag:$0x3] =	stream.indirect.gather @!p3 [spmem:s5], $0x1, s14, s2, $0xb8;
	[tilespmem:$0x17550] =	vst v63  }
0xff: {  	s14 =	simm.s32 @!p3 $0x5780  }
0x100: {  	[tilespmem:s14], [sflag:$0x3] =	stream.indirect.gather @!p3 [spmem:s3], $0x1, s18, s2, $0xb8;
	[tilespmem:$0x17550] =	vst v63  }
0x101: {  	s14 =	simm.s32 @!p3 $0x6400  }
0x102: {  	[tilespmem:s14], [sflag:$0x3] =	stream.indirect.gather @!p3 [spmem:s4], $0x1, s18, s2, $0xb8;
	[tilespmem:$0x17550] =	vst v63  }
0x103: {  	s14 =	simm.s32 @!p3 $0x7080  }
0x104: {  	[tilespmem:s14], [sflag:$0x3] =	stream.indirect.gather @!p3 [spmem:s5], $0x1, s18, s2, $0xb8;
	[tilespmem:$0x17550] =	vst v63  }
0x105: {  	_ =	swait.ge [sflag:s12], $0xC80  }
0x106: {  	[sflag:s12] =	ssyncset.done $0x0  }
0x107: {  	[sflag:s12] =	ssyncadd.s32 $0xFFFFF380  }
0x108: {  	_ =	swait.ge [sflag:s12], $0xC80  }
0x109: {  	[sflag:s12] =	ssyncset.done $0x0  }
0x10a: {  	[sflag:s12] =	ssyncadd.s32 $0xFFFFF380  }
0x10b: {  	_ =	swait.ge [sflag:s12], $0xC80  }
0x10c: {  	[sflag:s12] =	ssyncset.done $0x0  }
0x10d: {  	[sflag:s12] =	ssyncadd.s32 $0xFFFFF380  }
0x10e: {  	_ =	swait.ge [sflag:s12], $0xC80  }
0x10f: {  	[sflag:s12] =	ssyncset.done $0x0  }
0x110: {  	[sflag:s12] =	ssyncadd.s32 $0xFFFFF380  }
0x111: {  	_ =	swait.ge [sflag:s12], $0xC80  }
0x112: {  	[sflag:s12] =	ssyncset.done $0x0  }
0x113: {  	[sflag:s12] =	ssyncadd.s32 $0xFFFFF380  }
0x114: {  	_ =	swait.ge [sflag:s12], $0xC80  }
0x115: {  	[sflag:s12] =	ssyncset.done $0x0  }
0x116: {  	s2 =	simm.s32 @!p2 $0x6;
	[sflag:s12] =	ssyncadd.s32 $0xFFFFF380  }
0x117: {  	_ =	swait.ge @!p2 [sflag:s2], $0x3200  }
0x118: {  	[sflag:s2] =	ssyncset.done @!p2 $0x0  }
0x119: {  	s18 =	simm.s32 $0x0;
	[sflag:s2] =	ssyncadd.s32 @!p2 $0xFFFFCE00  }
0x11a: {  	v6 =	vld [tilespmem:s18+$0xA280]  }
0x11b: {  	v7 =	vld [tilespmem:s18+$0x7D00]  }
0x11c: {  	v8 =	vld [tilespmem:s18+$0xAF00]  }
0x11d: {  	v9 =	vld [tilespmem:s18+$0x8980]  }
0x11e: {  	v10 =	vld [tilespmem:s18+$0xBB80]  }
0x11f: {  	v11 =	vld [tilespmem:s18+$0x9600];
	_ =	sdelay $0x2  }
0x120: {  	v6 =	vsub.f32 v7, v6;
	v7 =	vsub.f32 v9, v8;
	_ =	sdelay $0x1  }
0x121: {  	v8 =	vsub.f32 v11, v10;
	v9 =	vmul.f32 v6, v6;
	v10 =	vmul.f32 v7, v7;
	_ =	sdelay $0x1  }
0x122: {  	v9 =	vadd.f32 v10, v9;
	v10 =	vmul.f32 v8, v8;
	_ =	sdelay $0x1  }
0x123: {  	v9 =	vadd.f32 v10, v9;
	_ =	sdelay $0x1  }
0x124: {  	v10 =	vshra.s32 v9, $0x1;
	v11 =	vmul.f32 $5.000000000e-01, v9  }
0x125: {  	v10 =	vsub.s32 $0x5F3759DF, v10  }
0x126: {  	v60 =	vmul.f32 v10, v11;
	_ =	sdelay $0x1  }
0x127: {  	v12 =	vmul.f32 v10, v60;
	_ =	sdelay $0x1  }
0x128: {  	v12 =	vsub.f32 $1.500000000e+00, v12;
	_ =	sdelay $0x1  }
0x129: {  	v10 =	vmul.f32 v10, v12;
	_ =	sdelay $0x1  }
0x12a: {  	v11 =	vmul.f32 v10, v11  }
0x12b: {  	s23 =	simm.s32 $0x0;
	s20 =	simm.s32 $0x0  }
0x12c: {  	s26 =	sand.u32 $0x3E00, s23;
	s2 =	sand.u32 $0x60, s20;
	v11 =	vmul.f32 v11, v10  }
0x12d: {  	s2 =	sor.u32 s2, s26  }
0x12e: {  	v61 =	vor.u32 s2, v0;
	v11 =	vsub.f32 $1.500000000e+00, v11  }
0x12f: {  	v12 =	vand.u32 v1, v61  }
0x130: {  	v10 =	vmul.f32 v11, v10;
	v11 =	vor.u32 s2, v2  }
0x131: {  	v62 =	vor.u32 s2, v3  }
0x132: {  	v63 =	vor.u32 s2, v4;
	v9 =	vmul.f32 v10, v9  }
0x133: {  	v6 =	vmul.f32 v10, v6  }
0x134: {  	v7 =	vmul.f32 v10, v7;
	[tilespmem:v12+s13+$0x0] =	vst.idx.msk $0xffff, v9  }
0x135: {  	v8 =	vmul.f32 v10, v8;
	[tilespmem:v11+s13+$0x0] =	vst.idx.msk $0xffff, v6  }
0x136: {  	[tilespmem:v62+s13+$0x0] =	vst.idx.msk $0xffff, v7  }
0x137: {  	[tilespmem:v63+s13+$0x0] =	vst.idx.msk $0xffff, v8  }
0x138: {  	v6 =	vld [tilespmem:s18+$0xAF10]  }
0x139: {  	v7 =	vld [tilespmem:s18+$0x8990]  }
0x13a: {  	s30 =	simm.s32 $0x10;
	v8 =	vld [tilespmem:s18+$0xA290]  }
0x13b: {  	s2 =	sand.u32 $0x70, s30;
	v9 =	vld [tilespmem:s18+$0x7D10]  }
0x13c: {  	s14 =	simm.s32 $0x30;
	s20 =	sor.u32 s26, s2;
	v10 =	vld [tilespmem:s18+$0x9610]  }
.LBB2_5:
0x13d: {  	p2 =	sne.s32 s14, $0xC70  }
0x13e: {  	v11 =	vld [tilespmem:s18+$0xBB90];
	s23 =	sadd.s32 $0x80, s23;
	s26 =	smov.u32 s14;
	s14 =	sadd.s32 $0x20, s14  }
0x13f: {  	v6 =	vsub.f32 v7, v6;
	_ =	sdelay $0x1  }
0x140: {  	v7 =	vsub.f32 v9, v8;
	_ =	sdelay $0x1  }
0x141: {  	v8 =	vsub.f32 v10, v11;
	v9 =	vmul.f32 v7, v7;
	v10 =	vmul.f32 v6, v6  }
0x142: {  	s18 =	sshra.s32 s23, $0x2  }
0x143: {  	v9 =	vadd.f32 v10, v9;
	v10 =	vmul.f32 v8, v8;
	_ =	sdelay $0x1  }
0x144: {  	v9 =	vadd.f32 v10, v9;
	_ =	sdelay $0x1  }
0x145: {  	v10 =	vshra.s32 v9, $0x1;
	v11 =	vmul.f32 $5.000000000e-01, v9  }
0x146: {  	v10 =	vsub.s32 $0x5F3759DF, v10  }
0x147: {  	v12 =	vmul.f32 v10, v11;
	_ =	sdelay $0x1  }
0x148: {  	v12 =	vmul.f32 v10, v12;
	_ =	sdelay $0x1  }
0x149: {  	v12 =	vsub.f32 $1.500000000e+00, v12;
	_ =	sdelay $0x1  }
0x14a: {  	v10 =	vmul.f32 v10, v12;
	_ =	sdelay $0x1  }
0x14b: {  	v11 =	vmul.f32 v10, v11;
	_ =	sdelay $0x1  }
0x14c: {  	v11 =	vmul.f32 v11, v10  }
0x14d: {  	v12 =	vor.u32 s20, v0  }
0x14e: {  	v12 =	vand.u32 v5, v12;
	v11 =	vsub.f32 $1.500000000e+00, v11  }
0x14f: {  	v13 =	vor.u32 s20, v2  }
0x150: {  	v10 =	vmul.f32 v11, v10;
	v11 =	vor.u32 s20, v3  }
0x151: {  	v14 =	vor.u32 s20, v4  }
0x152: {  	v9 =	vmul.f32 v10, v9;
	v7 =	vmul.f32 v10, v7  }
0x153: {  	v6 =	vmul.f32 v10, v6;
	v8 =	vmul.f32 v10, v8  }
0x154: {  	[tilespmem:v12+s13+$0x0] =	vst.idx.msk $0xffff, v9  }
0x155: {  	[tilespmem:v13+s13+$0x0] =	vst.idx.msk $0xffff, v7  }
0x156: {  	[tilespmem:v11+s13+$0x0] =	vst.idx.msk $0xffff, v6  }
0x157: {  	[tilespmem:v14+s13+$0x0] =	vst.idx.msk $0xffff, v8  }
0x158: {  	v6 =	vld [tilespmem:s18+$0xA280]  }
0x159: {  	v7 =	vld [tilespmem:s18+$0x7D00]  }
0x15a: {  	v8 =	vld [tilespmem:s18+$0xAF00]  }
0x15b: {  	v9 =	vld [tilespmem:s18+$0x8980]  }
0x15c: {  	v10 =	vld [tilespmem:s18+$0xBB80]  }
0x15d: {  	v11 =	vld [tilespmem:s18+$0x9600]  }
0x15e: {  	v6 =	vsub.f32 v7, v6;
	_ =	sdelay $0x1  }
0x15f: {  	v7 =	vsub.f32 v9, v8;
	_ =	sdelay $0x1  }
0x160: {  	v9 =	vmul.f32 v6, v6;
	v8 =	vsub.f32 v11, v10;
	v10 =	vmul.f32 v7, v7;
	_ =	sdelay $0x1  }
0x161: {  	v9 =	vadd.f32 v10, v9;
	v10 =	vmul.f32 v8, v8;
	_ =	sdelay $0x1  }
0x162: {  	v9 =	vadd.f32 v10, v9;
	_ =	sdelay $0x1  }
0x163: {  	v10 =	vshra.s32 v9, $0x1;
	v11 =	vmul.f32 $5.000000000e-01, v9  }
0x164: {  	v10 =	vsub.s32 $0x5F3759DF, v10  }
0x165: {  	v12 =	vmul.f32 v10, v11;
	_ =	sdelay $0x1  }
0x166: {  	v12 =	vmul.f32 v10, v12;
	_ =	sdelay $0x1  }
0x167: {  	v12 =	vsub.f32 $1.500000000e+00, v12;
	_ =	sdelay $0x1  }
0x168: {  	v10 =	vmul.f32 v10, v12;
	_ =	sdelay $0x1  }
0x169: {  	v11 =	vmul.f32 v10, v11  }
0x16a: {  	s2 =	sadd.s32 $0xFFFFFFF0, s26  }
0x16b: {  	s26 =	sand.u32 $0x70, s26;
	s2 =	sand.u32 $0x60, s2;
	s20 =	sand.u32 $0x3E00, s23;
	v11 =	vmul.f32 v11, v10  }
0x16c: {  	s2 =	sor.u32 s2, s20;
	s20 =	sor.u32 s20, s26  }
0x16d: {  	v12 =	vor.u32 s2, v0;
	v11 =	vsub.f32 $1.500000000e+00, v11  }
0x16e: {  	v12 =	vand.u32 v1, v12  }
0x16f: {  	v10 =	vmul.f32 v11, v10;
	v11 =	vor.u32 s2, v2  }
0x170: {  	v13 =	vor.u32 s2, v3  }
0x171: {  	v14 =	vor.u32 s2, v4;
	v9 =	vmul.f32 v10, v9;
	v7 =	vmul.f32 v10, v7  }
0x172: {  	v6 =	vmul.f32 v10, v6;
	v8 =	vmul.f32 v10, v8  }
0x173: {  	[tilespmem:v12+s13+$0x0] =	vst.idx.msk $0xffff, v9  }
0x174: {  	[tilespmem:v11+s13+$0x0] =	vst.idx.msk $0xffff, v6  }
0x175: {  	[tilespmem:v13+s13+$0x0] =	vst.idx.msk $0xffff, v7  }
0x176: {  	[tilespmem:v14+s13+$0x0] =	vst.idx.msk $0xffff, v8  }
.Ltmp3:
0x177: {  	v6 =	vld [tilespmem:s18+$0xAF10];
	(pc) =	sbr.rel @p2 .LBB2_5-.Ltmp3, $4  }
0x178: {  	v7 =	vld [tilespmem:s18+$0x8990]  }
0x179: {  	v8 =	vld [tilespmem:s18+$0xA290]  }
0x17a: {  	v9 =	vld [tilespmem:s18+$0x7D10]  }
0x17b: {  	v10 =	vld [tilespmem:s18+$0x9610]  }
0x17c: {  	v11 =	vld [tilespmem:s18+$0xBB90];
	_ =	sdelay $0x2  }
0x17d: {  	v6 =	vsub.f32 v7, v6;
	v7 =	vsub.f32 v9, v8;
	_ =	sdelay $0x1  }
0x17e: {  	v59 =	vmul.f32 v6, v6;
	v58 =	vsub.f32 v10, v11;
	v9 =	vmul.f32 v7, v7;
	_ =	sdelay $0x1  }
0x17f: {  	v9 =	vadd.f32 v59, v9;
	v60 =	vmul.f32 v58, v58;
	_ =	sdelay $0x1  }
0x180: {  	v9 =	vadd.f32 v60, v9;
	_ =	sdelay $0x1  }
0x181: {  	v10 =	vshra.s32 v9, $0x1;
	v61 =	vmul.f32 $5.000000000e-01, v9  }
0x182: {  	v10 =	vsub.s32 $0x5F3759DF, v10  }
0x183: {  	v12 =	vmul.f32 v10, v61;
	_ =	sdelay $0x1  }
0x184: {  	v12 =	vmul.f32 v10, v12;
	_ =	sdelay $0x1  }
0x185: {  	v12 =	vsub.f32 $1.500000000e+00, v12;
	_ =	sdelay $0x1  }
0x186: {  	v10 =	vmul.f32 v10, v12;
	_ =	sdelay $0x1  }
0x187: {  	v11 =	vmul.f32 v10, v61;
	_ =	sdelay $0x1  }
0x188: {  	v11 =	vmul.f32 v11, v10;
	_ =	sdelay $0x1  }
0x189: {  	v62 =	vor.u32 s20, v0;
	v11 =	vsub.f32 $1.500000000e+00, v11  }
0x18a: {  	v12 =	vand.u32 v5, v62  }
0x18b: {  	v13 =	vor.u32 s20, v2;
	v10 =	vmul.f32 v11, v10  }
0x18c: {  	v63 =	vor.u32 s20, v3  }
0x18d: {  	v14 =	vor.u32 s20, v4;
	v9 =	vmul.f32 v10, v9  }
0x18e: {  	s2 =	sadd.s32 s16, s22;
	v7 =	vmul.f32 v10, v7  }
0x18f: {  	p2 =	sgt.u32 s2, $0x7CF;
	v6 =	vmul.f32 v10, v6;
	[tilespmem:v12+s13+$0x0] =	vst.idx.msk $0xffff, v9  }
0x190: {  	s2 =	smul.u32 @!p2 $0xC80, s2;
	v8 =	vmul.f32 v10, v58;
	[tilespmem:v13+s13+$0x0] =	vst.idx.msk $0xffff, v7  }
0x191: {  	[tilespmem:v63+s13+$0x0] =	vst.idx.msk $0xffff, v6  }
0x192: {  	s11 =	sadd.s32 s19, s11;
	s2 =	sshrl.u32 @!p2 s2, $0x3;
	[tilespmem:v14+s13+$0x0] =	vst.idx.msk $0xffff, v8  }
0x193: {  	[hbm4b:s11+s6] =	stream.linear.scatter [tilespmem:s13], [sflag:$0x6], $0x3200, $0x38;
	[tilespmem:$0x17550] =	vst v63  }
0x194: {  	s14 =	simm.s32 @!p2 $0xC80;
	s2 =	sadd.s32 @!p2 s1, s2;
	s11 =	simm.s32 @!p2 $0x0  }
0x195: {  	[tilespmem:s14], [sflag:$0x2] =	stream.linear.gather @!p2 [hbm4b:s2+s11], $0xC80, $0x38;
	[tilespmem:$0x17550] =	vst v63  }
0x196: {  	s21 =	sadd.s32 $0x1, s21;
	s2 =	sadd.s32 @!p2 $0xC3500, s2;
	s14 =	simm.s32 @!p2 $0x2580  }
0x197: {  	[tilespmem:s14], [sflag:$0x2] =	stream.linear.gather @!p2 [hbm4b:s2+s11], $0xC80, $0x38;
	[tilespmem:$0x17550] =	vst v63  }
0x198: {  	p2 =	sne.s32 s21, $0x1F  }
.Ltmp4:
0x199: {  	_ = 	snop;
	(pc) =	sbr.rel @p2 .LBB2_2-.Ltmp4, $1  }
0x19a: {  	_ =	sdelay $0x3  }
.Ltmp5:
0x19b: {  	(pc) =	sbr.rel @p1 .LBB2_11-.Ltmp5, $2  }
0x19c: {  	_ =	sdelay $0x2  }
0x19d: {  	s14 =	rddreg [dreg:$0x12]  }
0x19e: {  	_ =	swait.ge [sflag:s9], $0xC80  }
0x19f: {  	[sflag:s9] =	ssyncset.done $0x0  }
0x1a0: {  	[sflag:s9] =	ssyncadd.s32 $0xFFFFF380  }
0x1a1: {  	_ =	swait.ge [sflag:s9], $0xC80  }
0x1a2: {  	[sflag:s9] =	ssyncset.done $0x0  }
0x1a3: {  	[sflag:s9] =	ssyncadd.s32 $0xFFFFF380  }
0x1a4: {  	_ =	swait.ge [sflag:s9], $0xC80  }
0x1a5: {  	[sflag:s9] =	ssyncset.done $0x0  }
0x1a6: {  	[sflag:s9] =	ssyncadd.s32 $0xFFFFF380  }
0x1a7: {  	_ =	swait.ge [sflag:s9], $0xC80  }
0x1a8: {  	[sflag:s9] =	ssyncset.done $0x0  }
0x1a9: {  	[sflag:s9] =	ssyncadd.s32 $0xFFFFF380  }
0x1aa: {  	_ =	swait.ge [sflag:s9], $0xC80  }
0x1ab: {  	[sflag:s9] =	ssyncset.done $0x0  }
0x1ac: {  	[sflag:s9] =	ssyncadd.s32 $0xFFFFF380  }
0x1ad: {  	_ =	swait.ge [sflag:s9], $0xC80  }
0x1ae: {  	[sflag:s9] =	ssyncset.done $0x0  }
0x1af: {  	s2 =	simm.s32 $0x5;
	[sflag:s9] =	ssyncadd.s32 $0xFFFFF380  }
0x1b0: {  	_ =	swait.ge [sflag:s2], $0x3200  }
0x1b1: {  	[sflag:s2] =	ssyncset.done $0x0  }
0x1b2: {  	s11 =	simm.s32 $0x0;
	[sflag:s2] =	ssyncadd.s32 $0xFFFFCE00  }
0x1b3: {  	v6 =	vld [tilespmem:s11+$0x5780]  }
0x1b4: {  	v7 =	vld [tilespmem:s11+$0x3200]  }
0x1b5: {  	v8 =	vld [tilespmem:s11+$0x6400]  }
0x1b6: {  	v9 =	vld [tilespmem:s11+$0x3E80]  }
0x1b7: {  	v10 =	vld [tilespmem:s11+$0x7080]  }
0x1b8: {  	v11 =	vld [tilespmem:s11+$0x4B00];
	_ =	sdelay $0x2  }
0x1b9: {  	v6 =	vsub.f32 v7, v6;
	v7 =	vsub.f32 v9, v8;
	_ =	sdelay $0x1  }
0x1ba: {  	v8 =	vsub.f32 v11, v10;
	v9 =	vmul.f32 v6, v6;
	v10 =	vmul.f32 v7, v7;
	_ =	sdelay $0x1  }
0x1bb: {  	v9 =	vadd.f32 v10, v9;
	v10 =	vmul.f32 v8, v8;
	_ =	sdelay $0x1  }
0x1bc: {  	v9 =	vadd.f32 v10, v9;
	_ =	sdelay $0x1  }
0x1bd: {  	v10 =	vshra.s32 v9, $0x1;
	v11 =	vmul.f32 $5.000000000e-01, v9  }
0x1be: {  	v10 =	vsub.s32 $0x5F3759DF, v10  }
0x1bf: {  	v12 =	vmul.f32 v10, v11;
	_ =	sdelay $0x1  }
0x1c0: {  	v12 =	vmul.f32 v10, v12;
	_ =	sdelay $0x1  }
0x1c1: {  	v12 =	vsub.f32 $1.500000000e+00, v12;
	_ =	sdelay $0x1  }
0x1c2: {  	v10 =	vmul.f32 v10, v12;
	_ =	sdelay $0x1  }
0x1c3: {  	v11 =	vmul.f32 v10, v11  }
0x1c4: {  	s18 =	simm.s32 $0x0;
	s26 =	simm.s32 $0x0  }
0x1c5: {  	s20 =	sand.u32 $0x3E00, s18;
	s2 =	sand.u32 $0x60, s26;
	v11 =	vmul.f32 v11, v10  }
0x1c6: {  	s2 =	sor.u32 s2, s20  }
0x1c7: {  	v63 =	vor.u32 s2, v0;
	v11 =	vsub.f32 $1.500000000e+00, v11  }
0x1c8: {  	v12 =	vand.u32 v1, v63  }
0x1c9: {  	v10 =	vmul.f32 v11, v10;
	v11 =	vor.u32 s2, v2  }
0x1ca: {  	v13 =	vor.u32 s2, v3  }
0x1cb: {  	v14 =	vor.u32 s2, v4;
	v9 =	vmul.f32 v10, v9  }
0x1cc: {  	v6 =	vmul.f32 v10, v6  }
0x1cd: {  	v7 =	vmul.f32 v10, v7;
	[tilespmem:v12+s10+$0x0] =	vst.idx.msk $0xffff, v9  }
0x1ce: {  	v8 =	vmul.f32 v10, v8;
	[tilespmem:v11+s10+$0x0] =	vst.idx.msk $0xffff, v6  }
0x1cf: {  	[tilespmem:v13+s10+$0x0] =	vst.idx.msk $0xffff, v7  }
0x1d0: {  	[tilespmem:v14+s10+$0x0] =	vst.idx.msk $0xffff, v8  }
0x1d1: {  	v6 =	vld [tilespmem:s11+$0x6410]  }
0x1d2: {  	v7 =	vld [tilespmem:s11+$0x3E90]  }
0x1d3: {  	s30 =	simm.s32 $0x10;
	v8 =	vld [tilespmem:s11+$0x5790]  }
0x1d4: {  	s2 =	sand.u32 $0x70, s30;
	v9 =	vld [tilespmem:s11+$0x3210]  }
0x1d5: {  	s14 =	simm.s32 $0x30;
	s20 =	sor.u32 s20, s2;
	v10 =	vld [tilespmem:s11+$0x4B10]  }
.LBB2_9:
0x1d6: {  	p2 =	sne.s32 s14, $0xC70  }
0x1d7: {  	v11 =	vld [tilespmem:s11+$0x7090];
	s18 =	sadd.s32 $0x80, s18;
	s21 =	smov.u32 s14;
	s14 =	sadd.s32 $0x20, s14  }
0x1d8: {  	v6 =	vsub.f32 v7, v6;
	_ =	sdelay $0x1  }
0x1d9: {  	v7 =	vsub.f32 v9, v8;
	_ =	sdelay $0x1  }
0x1da: {  	v8 =	vsub.f32 v10, v11;
	v9 =	vmul.f32 v7, v7;
	v10 =	vmul.f32 v6, v6  }
0x1db: {  	s11 =	sshra.s32 s18, $0x2  }
0x1dc: {  	v9 =	vadd.f32 v10, v9;
	v10 =	vmul.f32 v8, v8;
	_ =	sdelay $0x1  }
0x1dd: {  	v9 =	vadd.f32 v10, v9;
	_ =	sdelay $0x1  }
0x1de: {  	v10 =	vshra.s32 v9, $0x1;
	v11 =	vmul.f32 $5.000000000e-01, v9  }
0x1df: {  	v10 =	vsub.s32 $0x5F3759DF, v10  }
0x1e0: {  	v12 =	vmul.f32 v10, v11;
	_ =	sdelay $0x1  }
0x1e1: {  	v12 =	vmul.f32 v10, v12;
	_ =	sdelay $0x1  }
0x1e2: {  	v12 =	vsub.f32 $1.500000000e+00, v12;
	_ =	sdelay $0x1  }
0x1e3: {  	v10 =	vmul.f32 v10, v12;
	_ =	sdelay $0x1  }
0x1e4: {  	v11 =	vmul.f32 v10, v11;
	_ =	sdelay $0x1  }
0x1e5: {  	v11 =	vmul.f32 v11, v10  }
0x1e6: {  	v12 =	vor.u32 s20, v0  }
0x1e7: {  	v12 =	vand.u32 v5, v12;
	v11 =	vsub.f32 $1.500000000e+00, v11  }
0x1e8: {  	v13 =	vor.u32 s20, v2  }
0x1e9: {  	v10 =	vmul.f32 v11, v10;
	v11 =	vor.u32 s20, v3  }
0x1ea: {  	v14 =	vor.u32 s20, v4  }
0x1eb: {  	v9 =	vmul.f32 v10, v9;
	v7 =	vmul.f32 v10, v7  }
0x1ec: {  	v6 =	vmul.f32 v10, v6;
	v8 =	vmul.f32 v10, v8  }
0x1ed: {  	[tilespmem:v12+s10+$0x0] =	vst.idx.msk $0xffff, v9  }
0x1ee: {  	[tilespmem:v13+s10+$0x0] =	vst.idx.msk $0xffff, v7  }
0x1ef: {  	[tilespmem:v11+s10+$0x0] =	vst.idx.msk $0xffff, v6  }
0x1f0: {  	[tilespmem:v14+s10+$0x0] =	vst.idx.msk $0xffff, v8  }
0x1f1: {  	v6 =	vld [tilespmem:s11+$0x5780]  }
0x1f2: {  	v7 =	vld [tilespmem:s11+$0x3200]  }
0x1f3: {  	v8 =	vld [tilespmem:s11+$0x6400]  }
0x1f4: {  	v9 =	vld [tilespmem:s11+$0x3E80]  }
0x1f5: {  	v10 =	vld [tilespmem:s11+$0x7080]  }
0x1f6: {  	v11 =	vld [tilespmem:s11+$0x4B00]  }
0x1f7: {  	v6 =	vsub.f32 v7, v6;
	_ =	sdelay $0x1  }
0x1f8: {  	v7 =	vsub.f32 v9, v8;
	_ =	sdelay $0x1  }
0x1f9: {  	v9 =	vmul.f32 v6, v6;
	v8 =	vsub.f32 v11, v10;
	v10 =	vmul.f32 v7, v7;
	_ =	sdelay $0x1  }
0x1fa: {  	v9 =	vadd.f32 v10, v9;
	v10 =	vmul.f32 v8, v8;
	_ =	sdelay $0x1  }
0x1fb: {  	v9 =	vadd.f32 v10, v9;
	_ =	sdelay $0x1  }
0x1fc: {  	v10 =	vshra.s32 v9, $0x1;
	v11 =	vmul.f32 $5.000000000e-01, v9  }
0x1fd: {  	v10 =	vsub.s32 $0x5F3759DF, v10  }
0x1fe: {  	v12 =	vmul.f32 v10, v11;
	_ =	sdelay $0x1  }
0x1ff: {  	v12 =	vmul.f32 v10, v12;
	_ =	sdelay $0x1  }
0x200: {  	v12 =	vsub.f32 $1.500000000e+00, v12;
	_ =	sdelay $0x1  }
0x201: {  	v10 =	vmul.f32 v10, v12;
	_ =	sdelay $0x1  }
0x202: {  	v11 =	vmul.f32 v10, v11  }
0x203: {  	s2 =	sadd.s32 $0xFFFFFFF0, s21  }
0x204: {  	s21 =	sand.u32 $0x70, s21;
	s2 =	sand.u32 $0x60, s2;
	s20 =	sand.u32 $0x3E00, s18;
	v11 =	vmul.f32 v11, v10  }
0x205: {  	s2 =	sor.u32 s2, s20;
	s20 =	sor.u32 s20, s21  }
0x206: {  	v12 =	vor.u32 s2, v0;
	v11 =	vsub.f32 $1.500000000e+00, v11  }
0x207: {  	v12 =	vand.u32 v1, v12  }
0x208: {  	v10 =	vmul.f32 v11, v10;
	v11 =	vor.u32 s2, v2  }
0x209: {  	v13 =	vor.u32 s2, v3  }
0x20a: {  	v14 =	vor.u32 s2, v4;
	v9 =	vmul.f32 v10, v9;
	v7 =	vmul.f32 v10, v7  }
0x20b: {  	v6 =	vmul.f32 v10, v6;
	v8 =	vmul.f32 v10, v8  }
0x20c: {  	[tilespmem:v12+s10+$0x0] =	vst.idx.msk $0xffff, v9  }
0x20d: {  	[tilespmem:v11+s10+$0x0] =	vst.idx.msk $0xffff, v6  }
0x20e: {  	[tilespmem:v13+s10+$0x0] =	vst.idx.msk $0xffff, v7  }
0x20f: {  	[tilespmem:v14+s10+$0x0] =	vst.idx.msk $0xffff, v8  }
.Ltmp6:
0x210: {  	v6 =	vld [tilespmem:s11+$0x6410];
	(pc) =	sbr.rel @p2 .LBB2_9-.Ltmp6, $4  }
0x211: {  	v7 =	vld [tilespmem:s11+$0x3E90]  }
0x212: {  	v8 =	vld [tilespmem:s11+$0x5790]  }
0x213: {  	v9 =	vld [tilespmem:s11+$0x3210]  }
0x214: {  	v10 =	vld [tilespmem:s11+$0x4B10]  }
0x215: {  	v11 =	vld [tilespmem:s11+$0x7090];
	_ =	sdelay $0x2  }
0x216: {  	v6 =	vsub.f32 v7, v6;
	v7 =	vsub.f32 v9, v8;
	_ =	sdelay $0x1  }
0x217: {  	v59 =	vmul.f32 v6, v6;
	v58 =	vsub.f32 v10, v11;
	v9 =	vmul.f32 v7, v7;
	_ =	sdelay $0x1  }
0x218: {  	v9 =	vadd.f32 v59, v9;
	v60 =	vmul.f32 v58, v58;
	_ =	sdelay $0x1  }
0x219: {  	v9 =	vadd.f32 v60, v9;
	_ =	sdelay $0x1  }
0x21a: {  	v10 =	vshra.s32 v9, $0x1;
	v61 =	vmul.f32 $5.000000000e-01, v9  }
0x21b: {  	v10 =	vsub.s32 $0x5F3759DF, v10  }
0x21c: {  	v12 =	vmul.f32 v10, v61;
	_ =	sdelay $0x1  }
0x21d: {  	v12 =	vmul.f32 v10, v12;
	_ =	sdelay $0x1  }
0x21e: {  	v12 =	vsub.f32 $1.500000000e+00, v12;
	_ =	sdelay $0x1  }
0x21f: {  	v10 =	vmul.f32 v10, v12;
	_ =	sdelay $0x1  }
0x220: {  	v11 =	vmul.f32 v10, v61;
	_ =	sdelay $0x1  }
0x221: {  	v11 =	vmul.f32 v11, v10;
	_ =	sdelay $0x1  }
0x222: {  	v62 =	vor.u32 s20, v0;
	v11 =	vsub.f32 $1.500000000e+00, v11  }
0x223: {  	v12 =	vand.u32 v5, v62  }
0x224: {  	v13 =	vor.u32 s20, v2;
	v10 =	vmul.f32 v11, v10  }
0x225: {  	v63 =	vor.u32 s20, v3  }
0x226: {  	v14 =	vor.u32 s20, v4;
	v9 =	vmul.f32 v10, v9  }
0x227: {  	v7 =	vmul.f32 v10, v7  }
.Ltmp7:
0x228: {  	v6 =	vmul.f32 v10, v6;
	[tilespmem:v12+s10+$0x0] =	vst.idx.msk $0xffff, v9;
	(pc) =	sbr.rel .LBB2_11-.Ltmp7, $4  }
0x229: {  	v8 =	vmul.f32 v10, v58;
	[tilespmem:v13+s10+$0x0] =	vst.idx.msk $0xffff, v7  }
0x22a: {  	s2 =	rddreg [dreg:$0xd];
	[tilespmem:v63+s10+$0x0] =	vst.idx.msk $0xffff, v6  }
0x22b: {  	s14 =	rddreg [dreg:$0x12];
	[tilespmem:v14+s10+$0x0] =	vst.idx.msk $0xffff, v8  }
0x22c: {  	[hbm4b:s2+s6] =	stream.linear.scatter [tilespmem:s10], [sflag:$0x5], $0x3200, $0x38;
	[tilespmem:$0x17550] =	vst v63  }
.LBB2_12:
0x22d: {  	_ =	sfence.sel $0x180000  }
0x22e: {  	[bflag:$0x0] =	sbarrier.arrive $0xFFFF  }
0x22f: {  	_ =	strace $0x9000004A  }
0x230: {  	[bflag:$0x2] =	sbarrier.arrive $0xFFFF  }
0x231: {  	s0 =	rddreg [dreg:$0x5]  }
0x232: {  	s0 =	sadd.s32 @!p0 $0x100000, s0  }
0x233: {  	[sflag:s0] =	ssyncadd.tile.s32 @!p0 $0x1;
	_ =	shalt  }
.Lfunc_end2:
_tile_overlayer_lowered:
.L_overlay_start_2:
0x234: {  	(tag) =	ssettag $0x2  }
0x235: {  	s0 =	rddreg [dreg:$0x0];
	s2 =	stileid.u32  }
0x236: {  	s1 =	rddreg [dreg:$0x1];
	p0 =	sne.s32 s2, $0x0  }
0x237: {  	s3 =	rddreg [dreg:$0x2];
	[bflag:$0x3] =	sbarrier.arrive $0xFFFF;
	s2 =	simm.s32 @!p0 $0x1C07  }
0x238: {  	[timem:s3], [sflag:s2] =	dma.local @!p0 [hbm:s0], s1  }
0x239: {  	s0 =	simm.s32 @!p0 $0x7  }
0x23a: {  	_ =	swait.ge @!p0 [sflag:s0], s1  }
0x23b: {  	s1 =	ssub.s32 @!p0 $0x0, s1;
	[sflag:s0] =	ssyncset.done @!p0 $0x0  }
0x23c: {  	[sflag:s0] =	ssyncadd.s32 @!p0 s1  }
0x23d: {  	[bflag:$0x3] =	sbarrier.arrive $0xFFFF  }
0x23e: {  	_ =	shalt  }

// kernel: sparse-core-data-format-call.cloned.1.call-start
scs
called_computation_lowered:
.L_overlay_start_0:
0x0: {  	s2 =	sld [smem:$0x3FD9]  }
0x1: {  	s3 =	sld [smem:$0x3FFE];
	_ =	sdelay $0x1  }
0x2: {  	s1 =	srdreg.scid  }
0x3: {  	s0 =	sand.u32 $0x1, s1  }
0x4: {  	s18 =	sshll.u32 s0, $0xA;
	s2 =	sadd.s32 s3, s2  }
0x5: {  	s2 =	sadd.s32 s2, s18  }
0x6: {  	[smem:$0x3FC6] =	sst s2  }
0x7: {  	_ = 	snop  }
0x8: {  	s2 =	sld [smem:$0x3FC8];
	(tm) =	ssettm $0x1  }
0x9: {  	s19 =	sld [smem:$0x3FFB];
	_ =	sdelay $0x3  }
0xa: {  	_ =	strace s19  }
0xb: {  	s3 =	sld [smem:$0x3FFC];
	_ =	sdelay $0x3  }
0xc: {  	_ =	strace s3  }
0xd: {  	s3 =	sld [smem:$0x3FFD];
	_ =	sdelay $0x3  }
0xe: {  	_ =	strace s3  }
0xf: {  	_ =	strace $0x8FFFFFFF  }
0x10: {  	s20 =	sld [smem:$0x3FDB];
	_ =	sdelay $0x1  }
0x11: {  	s4 =	simm.s32 $_scs_section_size  }
0x12: {  	s5 =	simm.s32 $_size__tile_overlayer_lowered;
	s6 =	simm.s32 $_tile_overlayer_lowered  }
0x13: {  	s23 =	simm.s32 $0x1BFF;
	s22 =	sshll.u32 s6, $0x1;
	s3 =	sadd.s32 s4, s20  }
0x14: {  	s7 =	simm.s32 $0x0;
	s21 =	sshll.u32 s5, $0x1;
	s5 =	sadd.s32 s22, s3  }
0x15: {  	[timem:s7], [sflag:s23] =	dma.local [hbm:s5], s21  }
0x16: {  	_ =	swait.ge [sflag:s23], s21  }
0x17: {  	s4 =	ssub.s32 $0x0, s21;
	[sflag:s23] =	ssyncset.done $0x0  }
0x18: {  	[sflag:s23] =	ssyncadd.s32 s4;
	_ =	sdelay $0x1  }
0x19: {  	s24 =	simm.s32 $0x1B8B  }
0x1a: {  	_ =	swait.ge [sflag:s24], $0x1  }
0x1b: {  	[sflag:s24] =	ssyncset.done $0x0  }
0x1c: {  	s26 =	simm.s32 $0x1B8E;
	s25 =	sld [smem:$0x3FFE];
	[sflag:s24] =	ssyncadd.s32 $0xFFFFFFFF  }
0x1d: {  	s27 =	simm.s32 $execute0_lowered;
	[smem:$0x3FD2] =	sst s26  }
0x1e: {  	s5 =	sshll.u32 s27, $0x1;
	_ =	strace $0x80000046;
	[dreg:$0x1] =	wrdreg $0xFFFFFFFF  }
0x1f: {  	s28 =	simm.s32 $_size_execute0_lowered;
	s3 =	sadd.s32 s3, s5;
	[dreg:$0x0] =	wrdreg $0x0  }
0x20: {  	s5 =	sshll.u32 s28, $0x1;
	[dreg:$0x2] =	wrdreg s3  }
0x21: {  	[dreg:$0x3] =	wrdreg s5  }
0x22: {  	[dreg:$0x4] =	wrdreg $0xC0  }
0x23: {  	_ =	task [dreg:s7], $0x5FFFF  }
0x24: {  	[dreg:$0x1] =	wrdreg $0xFFFFFFFF  }
0x25: {  	[dreg:$0x0] =	wrdreg $0x60  }
0x26: {  	[dreg:$0x2] =	wrdreg s2  }
0x27: {  	[dreg:$0x3] =	wrdreg s25  }
0x28: {  	[dreg:$0x4] =	wrdreg $0x9  }
0x29: {  	_ =	task.clear_ibuf [dreg:s7], $0x5FFFF;
	_ =	strace $0x90000046  }
0x2a: {  	s29 =	simm.s32 $0x9;
	_ =	strace $0x80000048  }
0x2b: {  	_ =	swait.ge [sflag:s29], $0x1  }
0x2c: {  	[sflag:s29] =	ssyncadd.s32 $0xFFFFFFFF  }
0x2d: {  	_ =	strace $0x90000048  }
0x2e: {  	_ =	sfence  }
0x2f: {  	s30 =	sld [smem:$0x0];
	_ =	sdelay $0x2  }
0x30: {  	s31 =	sshll.u32 s1, $0xD;
	s1 =	sshrl.u32 s1, $0x2  }
0x31: {  	s3 =	sand.u32 $0x4000, s31;
	s1 =	sadd.s32 s1, s30  }
0x32: {  	s0 =	sor.u32 s3, s0;
	s1 =	sshll.u32 s1, $0x11  }
0x33: {  	s0 =	sor.u32 s1, s0  }
0x34: {  	s0 =	sadd.s32 $0x8F2B, s0  }
0x35: {  	[sflag:s0] =	ssyncadd.remote.s32 $0x1  }
0x36: {  	_ =	sfence.sel $0xFFFF  }
0x37: {  	[dreg:$0x0] =	wrdreg $0xFFFFFFFF;
	(pc) =	sbr.abs _section_cstart, $3  }
0x38: {  	[dreg:$0x1] =	wrdreg $0xFFFFFFFF  }
0x39: {  	_ =	task.clear_ibuf [dreg:s7], $0x2FFFF;
	_ =	strace $0x9FFFFFFF  }
0x3a: {  	(tm) =	ssettm $0x7FFFFFFF  }
0x3b: {  	_ =	shalt  }
tec
execute0_lowered:
.L_overlay_start_1:
0x0: {  	(tag) =	ssettag $0x1  }
0x1: {  	s0 =	stileid.u32  }
0x2: {  	s1 =	srdreg.scid;
	s7 =	rddreg [dreg:$0x0]  }
0x3: {  	s4 =	rddreg [dreg:$0x1];
	s31 =	simm.s32 $0x2;
	s10 =	simm.s32 $0x0  }
0x4: {  	s14 =	simm.s32 $0x0;
	s15 =	simm.s32 $0x0;
	s11 =	simm.s32 $0x0  }
0x5: {  	s13 =	simm.s32 $0x0;
	s2 =	sand.u32 $0x1, s1;
	s3 =	sshll.u32 s0, $0x7  }
0x6: {  	s1 =	rddreg [dreg:$0x2];
	s30 =	ssub.s32 $0xC300, s3;
	s5 =	ssub.s32 $0x2, s2  }
.Ltmp0:
0x7: {  	s6 =	sshrl.u32 s30, $0xB;
	s8 =	sshrl.u32 s5, $0x1;
	(pc) =	sbr.rel .LBB1_1-.Ltmp0, $4  }
0x8: {  	_ =	strace $0x80000047;
	s6 =	sadd.s32 $0x1, s6;
	s8 =	ssub.s32 s5, s8  }
0x9: {  	s9 =	sshll.u32 s2, $0x4;
	s5 =	simm.s32 $0x1;
	s6 =	smul.u32 s6, s8  }
0xa: {  	s12 =	smov.u32 s3;
	s7 =	sadd.s32 s7, s9;
	[sflag:s5] =	ssyncpa.u1 $0x0  }
0xb: {  	s9 =	simm.s32 $0x0;
	[sflag:s31] =	ssyncpa.u1 $0x0;
	s8 =	sadd.s32 $0x1, s6  }
.LBB1_4:
0xc: {  	s21 =	simm.s32 $0x0  }
.LBB1_8:
0xd: {  	_ =	sdelay $0x3  }
0xe: {  	v6 =	vld [tilespmem:s18+$0xFFFFFFC0];
	[tilespmem:v0+s20+$0x30 ss:$0x1] =	vst.idx.msk @p0 $0xffff, v2  }
0xf: {  	v58 =	vld [tilespmem:s18+$0xFFFFFFD0];
	[tilespmem:v0+s20+$0x40 ss:$0x1] =	vst.idx.msk @p0 $0xffff, v3;
	s21 =	sadd.s32 @p0 $0x80, s21  }
0x10: {  	v59 =	vld [tilespmem:s18+$0xFFFFFFE0];
	[tilespmem:v0+s20+$0x50 ss:$0x1] =	vst.idx.msk @p0 $0xffff, v5;
	s19 =	smov.u32 @p0 s21  }
0x11: {  	v60 =	vld [tilespmem:s18+$0xFFFFFFF0];
	[tilespmem:v0+s20+$0x60 ss:$0x1] =	vst.idx.msk @p0 $0xffff, v4;
	s19 =	sand.u32 $0x3F80, s19  }
0x12: {  	v61 =	vld [tilespmem:s18+$0x0];
	[tilespmem:v0+s19+$0x70 ss:$0x1] =	vst.idx.msk $0xffff, v1  }
0x13: {  	v62 =	vld [tilespmem:s18+$0x10];
	[tilespmem:v0+s19+$0x0 ss:$0x1] =	vst.idx.msk $0xffff, v6  }
0x14: {  	v63 =	vld [tilespmem:s18+$0x20];
	[tilespmem:v0+s19+$0x10 ss:$0x1] =	vst.idx.msk $0xffff, v58  }
0x15: {  	[tilespmem:v0+s19+$0x20 ss:$0x1] =	vst.idx.msk $0xffff, v59  }
0x16: {  	[tilespmem:v0+s19+$0x30 ss:$0x1] =	vst.idx.msk $0xffff, v60  }
0x17: {  	[tilespmem:v0+s19+$0x40 ss:$0x1] =	vst.idx.msk $0xffff, v61  }
0x18: {  	[tilespmem:v0+s19+$0x50 ss:$0x1] =	vst.idx.msk $0xffff, v62  }
0x19: {  	[tilespmem:v0+s19+$0x60 ss:$0x1] =	vst.idx.msk $0xffff, v63  }
.LBB1_9:
0x1a: {  	s18 =	sand.u32 $0x1FFFFFF, s11  }
0x1b: {  	s19 =	smulhi.u32 $0x14F8B59, s18;
	_ =	sdelay $0x1  }
0x1c: {  	s19 =	sshrl.u32 s19, $0x8  }
0x1d: {  	s19 =	smul.u32 $0xC350, s19  }
0x1e: {  	s15 =	smul.u32 $0xC3500, s15  }
0x1f: {  	s18 =	ssub.s32 s18, s19  }
0x20: {  	s15 =	sadd.s32 s4, s15;
	s18 =	sshll.u32 s18, $0x4  }
0x21: {  	s15 =	sadd.s32 s18, s15  }
0x22: {  	[hbm4b:s15+s9] =	stream.linear.scatter [tilespmem:s17], [sflag:$0x2], s16, $0x38;
	[tilespmem:$0x10000] =	vst v63  }
.LBB1_10:
0x23: {  	p0 =	slt.u32 s13, $0x2  }
0x24: {  	p1 =	sgt.s32 @!p0 s14, $0xC2D0  }
0x25: {  	s15 =	smov.u32 s14;
	s16 =	sshra.s32 @!p0 s14, $0x1F;
	p1 =	por !p1, p0  }
0x26: {  	s14 =	sand.u32 @!p0 s16, s14;
	s15 =	simm.s32 @p1 $0xC2D0  }
0x27: {  	s14 =	ssub.s32 @!p0 s15, s14  }
0x28: {  	s14 =	sadd.s32 @!p0 $0xFFFF3D30, s14  }
0x29: {  	s15 =	sshll.u32 @!p0 s14, $0x7  }
0x2a: {  	p1 =	sgt.s32 @!p0 s14, $0x7F;
	s14 =	ssub.s32 @!p0 $0x4000, s15  }
0x2b: {  	s16 =	sadd.s32 $0x800, s12;
	p1 =	por !p1, p0;
	s14 =	sand.u32 @!p0 $0x3FFFFF80, s14  }
0x2c: {  	s14 =	simm.s32 @!p1 $0x0;
	p1 =	sgt.s32 s16, $0xC34F  }
0x2d: {  	s16 =	smov.u32 @p1 s3;
	p1 =	sne.s32 s13, s8  }
.Ltmp1:
0x2e: {  	_ = 	snop;
	(pc) =	sbr.rel @!p1 .LBB1_11-.Ltmp1, $4  }
0x2f: {  	s10 =	sadd.s32 $0x4000, s10;
	s15 =	simm.s32 @!p0 $0x2  }
0x30: {  	_ =	swait.ge @!p0 [sflag:s15], s14;
	s17 =	ssub.s32 @!p0 $0x0, s14;
	s14 =	smov.u32 s11  }
0x31: {  	s13 =	sadd.s32 $0x1, s13;
	s11 =	smov.u32 s12;
	[sflag:s15] =	ssyncset.done @!p0 $0x0  }
0x32: {  	s12 =	smov.u32 s16;
	[sflag:s15] =	ssyncadd.s32 @!p0 s17;
	s15 =	smov.u32 s2  }
.LBB1_1:
0x33: {  	p0 =	sge.u32 s13, s6  }
0x34: {  	p1 =	sgt.s32 @!p0 s12, $0xC2D0  }
0x35: {  	s16 =	smov.u32 s12;
	s17 =	sshra.s32 @!p0 s12, $0x1F;
	p1 =	por !p1, p0  }
0x36: {  	s17 =	sand.u32 @!p0 s17, s12;
	s16 =	simm.s32 @p1 $0xC2D0  }
0x37: {  	s16 =	ssub.s32 @!p0 s16, s17  }
0x38: {  	s31 =	sadd.s32 $0xFFFFFFFF, s13;
	s18 =	sxor.u32 @!p0 $0xFFFFFFFF, s13;
	s16 =	sadd.s32 @!p0 $0xFFFF3D30, s16  }
0x39: {  	s19 =	simm.s32 @!p0 $0x80;
	s20 =	simm.s32 @!p0 $0x100;
	s17 =	sshll.u32 @!p0 s16, $0x7  }
0x3a: {  	p1 =	sgt.s32 @!p0 s16, $0x7F;
	s16 =	ssub.s32 @!p0 $0x4000, s17;
	s17 =	sshll.u32 @!p0 s18, $0xE  }
0x3b: {  	p1 =	por !p1, p0;
	s18 =	sshll.u32 @!p0 s12, $0x5;
	s16 =	sand.u32 @!p0 $0x3FFFFF80, s16  }
0x3c: {  	s17 =	sand.u32 @!p0 $0x4000, s17;
	s18 =	sadd.s32 @!p0 s18, s7;
	s16 =	simm.s32 @!p1 $0x0  }
0x3d: {  	[tilespmem:s17], [sflag:$0x1] =	stream.strided.gather @!p0 [hbm4b:s18+s19], s16, s20, s19, $0x38;
	[tilespmem:$0x10000] =	vst v63  }
0x3e: {  	p0 =	sge.u32 s31, s6  }
.Ltmp2:
0x3f: {  	_ = 	snop;
	(pc) =	sbr.rel @p0 .LBB1_10-.Ltmp2, $1  }
0x40: {  	_ =	sdelay $0x3  }
0x41: {  	p0 =	sgt.s32 s11, $0xC2D0;
	s16 =	smov.u32 s11;
	s17 =	sshra.s32 s11, $0x1F  }
0x42: {  	s16 =	simm.s32 @!p0 $0xC2D0;
	s17 =	sand.u32 s17, s11  }
0x43: {  	s16 =	ssub.s32 s16, s17  }
0x44: {  	s16 =	sadd.s32 $0xFFFF3D30, s16  }
0x45: {  	s30 =	sshll.u32 s16, $0x7  }
0x46: {  	s17 =	ssub.s32 $0x4000, s30  }
0x47: {  	p0 =	sgt.s32 s16, $0x7F;
	s16 =	sand.u32 $0x3FFFFF80, s17;
	s17 =	sadd.s32 $0x80, s11  }
0x48: {  	s16 =	simm.s32 @p0 $0x0;
	p0 =	slt.s32 s17, $0xC350  }
0x49: {  	s17 =	simm.s32 @!p0 $0xC350  }
0x4a: {  	s20 =	ssub.s32 s17, s11  }
0x4b: {  	p0 =	slt.s32 s20, $0x1  }
.Ltmp3:
0x4c: {  	_ = 	snop;
	(pc) =	sbr.rel @p0 .LBB1_9-.Ltmp3, $4  }
0x4d: {  	_ = 	snop  }
0x4e: {  	s19 =	sshll.u32 s13, $0xE;
	_ =	swait.ge [sflag:s5], s16  }
0x4f: {  	s31 =	sand.u32 $0x4000, s19;
	s18 =	ssub.s32 $0x0, s16;
	[sflag:s5] =	ssyncset.done $0x0  }
0x50: {  	s17 =	sor.u32 $0x8000, s31;
	[sflag:s5] =	ssyncadd.s32 s18  }
0x51: {  	p1 =	sne.s32 s20, $0x1  }
.Ltmp4:
0x52: {  	v0 =	vmov s17;
	(pc) =	sbr.rel @!p1 .LBB1_4-.Ltmp4, $4  }
0x53: {  	_ = 	snop  }
0x54: {  	s18 =	sand.u32 $0x4000, s10  }
0x55: {  	s18 =	sor.u32 $0x40, s18  }
0x56: {  	s19 =	simm.s32 $0x0;
	s21 =	sadd.s32 $0xFFFFFFFF, s20;
	p0 =	por $0x0, $0x0;
	v1 =	vld [tilespmem:s18+$0x30]  }
0x57: {  	v4 =	vld [tilespmem:s18+$0xFFFFFFC0]  }
0x58: {  	v6 =	vld [tilespmem:s18+$0xFFFFFFD0]  }
0x59: {  	v7 =	vld [tilespmem:s18+$0xFFFFFFE0];
	p1 =	sne.s32 s21, $0x1  }
.Ltmp5:
0x5a: {  	v2 =	vld [tilespmem:s18+$0xFFFFFFF0];
	s20 =	sand.u32 $0x3F80, s19;
	(pc) =	sbr.rel @!p1 .LBB1_6-.Ltmp5, $4  }
0x5b: {  	v3 =	vld [tilespmem:s18+$0x0];
	[tilespmem:v0+s20+$0x70 ss:$0x1] =	vst.idx.msk $0xffff, v1  }
0x5c: {  	v5 =	vld [tilespmem:s18+$0x10];
	[tilespmem:v0+s20+$0x0 ss:$0x1] =	vst.idx.msk $0xffff, v4  }
0x5d: {  	v4 =	vld [tilespmem:s18+$0x20];
	[tilespmem:v0+s20+$0x10 ss:$0x1] =	vst.idx.msk $0xffff, v6;
	s18 =	sadd.s32 $0x80, s18  }
0x5e: {  	s22 =	sadd.s32 $0xFFFFFFFF, s21;
	p0 =	por $0x1, $0x1;
	s21 =	simm.s32 $0x0;
	[tilespmem:v0+s20+$0x20 ss:$0x1] =	vst.idx.msk $0xffff, v7;
	v1 =	vld [tilespmem:s18+$0x30]  }
.LBB1_7:
0x5f: {  	p1 =	sne.s32 s22, $0x1;
	v6 =	vld [tilespmem:s18+$0xFFFFFFC0];
	[tilespmem:v0+s20+$0x30 ss:$0x1] =	vst.idx.msk $0xffff, v2  }
0x60: {  	v7 =	vld [tilespmem:s18+$0xFFFFFFD0];
	[tilespmem:v0+s20+$0x40 ss:$0x1] =	vst.idx.msk $0xffff, v3  }
0x61: {  	s21 =	sadd.s32 $0x80, s21;
	v8 =	vld [tilespmem:s18+$0xFFFFFFE0];
	[tilespmem:v0+s20+$0x50 ss:$0x1] =	vst.idx.msk $0xffff, v5  }
.Ltmp6:
0x62: {  	v2 =	vld [tilespmem:s18+$0xFFFFFFF0];
	[tilespmem:v0+s20+$0x60 ss:$0x1] =	vst.idx.msk $0xffff, v4;
	s20 =	sand.u32 $0x3F80, s21;
	(pc) =	sbr.rel @p1 .LBB1_7-.Ltmp6, $4  }
0x63: {  	v3 =	vld [tilespmem:s18+$0x0];
	[tilespmem:v0+s20+$0x70 ss:$0x1] =	vst.idx.msk $0xffff, v1  }
0x64: {  	[tilespmem:v0+s20+$0x0 ss:$0x1] =	vst.idx.msk $0xffff, v6;
	v5 =	vld [tilespmem:s18+$0x10]  }
0x65: {  	[tilespmem:v0+s20+$0x10 ss:$0x1] =	vst.idx.msk $0xffff, v7;
	v4 =	vld [tilespmem:s18+$0x20];
	s18 =	sadd.s32 $0x80, s18  }
0x66: {  	s22 =	sadd.s32 $0xFFFFFFFF, s22;
	v1 =	vld [tilespmem:s18+$0x30];
	[tilespmem:v0+s20+$0x20 ss:$0x1] =	vst.idx.msk $0xffff, v8  }
.Ltmp7:
0x67: {  	_ = 	snop;
	(pc) =	sbr.rel .LBB1_8-.Ltmp7, $1  }
0x68: {  	_ =	sdelay $0x3  }
.LBB1_6:
.Ltmp8:
0x69: {  	(pc) =	sbr.rel .LBB1_8-.Ltmp8, $2  }
0x6a: {  	_ =	sdelay $0x2  }
0x6b: {  	s21 =	simm.s32 $0x0  }
.LBB1_11:
0x6c: {  	_ =	sfence.sel $0x180000  }
0x6d: {  	s2 =	simm.s32 $0x1;
	[bflag:$0x0] =	sbarrier.arrive $0xFFFF  }
0x6e: {  	s31 =	simm.s32 $0x2;
	[sflag:s2] =	ssyncpa.u1 $0x1  }
0x6f: {  	[sflag:s31] =	ssyncpa.u1 $0x1  }
0x70: {  	p0 =	sne.s32 s0, $0x0;
	_ =	strace $0x90000047  }
0x71: {  	s0 =	sadd.s32 @!p0 $0x100000, s1;
	[bflag:$0x2] =	sbarrier.arrive $0xFFFF  }
0x72: {  	[sflag:s0] =	ssyncadd.tile.s32 @!p0 $0x1;
	_ =	shalt  }
.Lfunc_end1:
_tile_overlayer_lowered:
.L_overlay_start_2:
0x73: {  	(tag) =	ssettag $0x2  }
0x74: {  	s0 =	rddreg [dreg:$0x0];
	s2 =	stileid.u32  }
0x75: {  	s1 =	rddreg [dreg:$0x1];
	p0 =	sne.s32 s2, $0x0  }
0x76: {  	s3 =	rddreg [dreg:$0x2];
	[bflag:$0x3] =	sbarrier.arrive $0xFFFF;
	s2 =	simm.s32 @!p0 $0x1C01  }
0x77: {  	[timem:s3], [sflag:s2] =	dma.local @!p0 [hbm:s0], s1  }
0x78: {  	s0 =	simm.s32 @!p0 $0x1  }
0x79: {  	_ =	swait.ge @!p0 [sflag:s0], s1  }
0x7a: {  	s1 =	ssub.s32 @!p0 $0x0, s1;
	[sflag:s0] =	ssyncset.done @!p0 $0x0  }
0x7b: {  	[sflag:s0] =	ssyncadd.s32 @!p0 s1  }
0x7c: {  	[bflag:$0x3] =	sbarrier.arrive $0xFFFF  }
0x7d: {  	_ =	shalt  }

</sc_bundles>
